<compile_context>
chip_gen: v7x
topology: tpu7x:2x2x1
jax: 0.10.2.dev20260603
libtpu: 0.0.44.dev20260713+nightly
codegen_flags: <defaults>
</compile_context>

<pallas_src>
import functools
import math

import jax
import jax.numpy as jnp
from jax import lax
from jax.experimental import pallas as pl
from jax.experimental.pallas import tpu as pltpu
from jax.experimental.pallas import tpu_sc as plsc

D_MODEL = 64
D_PAD = 128
BL = 128
LU = 8
NBUF = 5


@functools.partial(jax.jit, static_argnames=("n",))
def _sc_embed(x2d, tpad, n):
    info = plsc.get_sparse_core_info()
    nw = info.num_cores * info.num_subcores
    per_w = n // nw
    n_subs = per_w // BL
    assert n_subs % NBUF == 0
    mesh = plsc.VectorSubcoreMesh(core_axis_name="c", subcore_axis_name="s")

    @functools.partial(
        pl.kernel,
        mesh=mesh,
        out_type=jax.ShapeDtypeStruct((n, D_PAD), jnp.float32),
        scratch_types=[
            pltpu.VMEM((2, LU, BL), jnp.int32),
            pltpu.VMEM((NBUF, BL, D_PAD), jnp.float32),
            pltpu.SemaphoreType.DMA,
            pltpu.SemaphoreType.DMA,
        ],
        compiler_params=pltpu.CompilerParams(
            use_tc_tiling_on_sc=True, needs_layout_passes=False),
    )
    def k(x_hbm, tab_hbm, out_hbm, idx_v, rows_v, sem_g, sem_w):
        wid = lax.axis_index("s") * info.num_cores + lax.axis_index("c")
        row0 = wid * (per_w // BL)
        base = wid * per_w

        def stage_idx(u):
            pltpu.sync_copy(
                x_hbm.at[pl.ds(row0 + u * LU, LU)], idx_v.at[u % 2])

        def gather_desc(s, gbuf):
            return pltpu.make_async_copy(
                tab_hbm.at[idx_v.at[(s // LU) % 2, s % LU]],
                rows_v.at[gbuf], sem_g)

        def write_desc(s, wbuf):
            return pltpu.make_async_copy(
                rows_v.at[wbuf],
                out_hbm.at[pl.ds(base + s * BL, BL)], sem_w)

        stage_idx(0)
        gather_desc(0, 0).start()
        gather_desc(1, 1).start()

        def sub_step(s, buf):
            @pl.when(s >= 3)
            def _drain_write():
                write_desc(s - 3, (buf + 2) % NBUF).wait()

            s2 = s + 2

            @pl.when(s2 < n_subs)
            def _fire_ahead():
                @pl.when(s2 % LU == 0)
                def _stage():
                    stage_idx(s2 // LU)
                gather_desc(s2, (buf + 2) % NBUF).start()

            gather_desc(s, buf).wait()
            write_desc(s, buf).start()

        def sub_body(sp, _):
            for q in range(NBUF):
                sub_step(sp * NBUF + q, q)
            return 0

        lax.fori_loop(0, n_subs // NBUF, sub_body, 0)
        for t in range(3):
            write_desc(n_subs - 3 + t, (n_subs - 3 + t) % NBUF).wait()

    return k(x2d, tpad)


def kernel(x, table):
    b, l = x.shape
    n = b * l
    tpad = jnp.pad(table, ((0, 0), (0, D_PAD - D_MODEL))) * math.sqrt(
        float(D_MODEL))
    out = _sc_embed(x.reshape(n // BL, BL), tpad, n)
    return out[:, :D_MODEL].reshape(b, l, D_MODEL)

# --- scband reference (transcript-rebuilt; emitter-appended) ---
"""Pipeline reference for scband-embedding-layer-57552561766848 (READ-ONLY COPY).

The authoritative reference and input builder live on the scoring server;
editing this copy changes nothing except your own understanding.
"""

import jax, jax.numpy as jnp
import numpy as np
import math

VOCAB = 1000000
D_MODEL = 64
B = 4096
L = 200

def setup_inputs(seed: int = 0) -> dict:
    key = jax.random.key(seed)
    k1, k2 = jax.random.split(key)
    x = jax.random.randint(k1, (B, L), 0, VOCAB, dtype=jnp.int64 if jax.config.jax_enable_x64 else jnp.int32).astype(jnp.int32)
    table = jax.random.normal(k2, (VOCAB, D_MODEL), dtype=jnp.float32)
    return {"x": x, "table": table}

def reference(x, table):
    # EmbeddingLayer.forward: dropout(embed(x)) * sqrt(d_model); dropout_perc=0.0 -> identity
    emb = jnp.take(table, x, axis=0)
    return emb * math.sqrt(float(D_MODEL))

if __name__ == "__main__":
    import jax
    _d = setup_inputs()
    print(jax.jit(kernel)(*tuple(_d.values())))

</pallas_src>

<mosaic_0001>
#map = affine_map<(d0, d1) -> (0, 0)>
module attributes {stable_mosaic.version = 14 : i64} {
  func.func @k(%arg0: i32, %arg1: i32, %arg2: memref<6400x128xi32, #tpu.memory_space<hbm>>, %arg3: memref<1000000x128xf32, #tpu.memory_space<hbm>>, %arg4: memref<819200x128xf32, #tpu.memory_space<hbm>>, %arg5: memref<2x8x128xi32, #tpu.memory_space<vmem>>, %arg6: memref<5x128x128xf32, #tpu.memory_space<vmem>>, %arg7: memref<!tpu.dma_semaphore, #tpu.memory_space<semaphore_mem>>, %arg8: memref<!tpu.dma_semaphore, #tpu.memory_space<semaphore_mem>>) attributes {dimension_semantics = [#tpu.dimension_semantics<core_parallel>, #tpu.dimension_semantics<subcore_parallel>], iteration_bounds = array<i64: 2, 16>, scalar_prefetch = 0 : i64, scratch_operands = 4 : i64, tpu.core_type = #tpu.core_type<sc_vector_subcore>, window_params = [{transform_indices = #map}, {transform_indices = #map}, {transform_indices = #map}]} {
    %mul3A = arith.constant 2 : i32
    %mul3A_0 = arith.muli %arg1, %mul3A : i32
    %add3A = arith.addi %mul3A_0, %arg0 : i32
    %mul3A_1 = arith.constant 200 : i32
    %mul3A_2 = arith.muli %add3A, %mul3A_1 : i32
    %mul3A_3 = arith.constant 25600 : i32
    %mul3A_4 = arith.muli %add3A, %mul3A_3 : i32
    %add3A_5 = arith.constant 0 : i32
    %add3A_6 = arith.addi %mul3A_2, %add3A_5 : i32
    %run_scoped3A = arith.constant 0 : i32
    "tpu.region"() ({
      %run_scoped3A_82 = tpu.sem_alloc : memref<!tpu.dma_semaphore, #tpu.memory_space<semaphore_mem>>
      %dma_start3A_83 = arith.constant 0 : i32
      %dma_start3A_84 = arith.constant 0 : i32
      %dma_start3A_85 = tpu.memref_slice %arg5[%run_scoped3A, %dma_start3A_83, %dma_start3A_84] : memref<2x8x128xi32, #tpu.memory_space<vmem>> -> memref<1x8x128xi32, #tpu.memory_space<vmem>>
      %dma_start3A_86 = tpu.memref_squeeze %dma_start3A_85 : memref<1x8x128xi32, #tpu.memory_space<vmem>> -> memref<8x128xi32, #tpu.memory_space<vmem>>
      %dma_start3A_87 = arith.constant 0 : i32
      %dma_start3A_88 = tpu.memref_slice %arg2[%add3A_6, %dma_start3A_87] : memref<6400x128xi32, #tpu.memory_space<hbm>> -> memref<8x128xi32, #tpu.memory_space<hbm>>
      %dma_start3A_89 = arith.constant 0 : i32
      %dma_start3A_90 = arith.constant 0 : i32
      %dma_start3A_91 = tpu.memref_slice %arg5[%run_scoped3A, %dma_start3A_89, %dma_start3A_90] : memref<2x8x128xi32, #tpu.memory_space<vmem>> -> memref<1x8x128xi32, #tpu.memory_space<vmem>>
      %dma_start3A_92 = tpu.memref_squeeze %dma_start3A_91 : memref<1x8x128xi32, #tpu.memory_space<vmem>> -> memref<8x128xi32, #tpu.memory_space<vmem>>
      %dma_start3A_93 = arith.constant 0 : i32
      %dma_start3A_94 = tpu.memref_slice %arg2[%add3A_6, %dma_start3A_93] : memref<6400x128xi32, #tpu.memory_space<hbm>> -> memref<8x128xi32, #tpu.memory_space<hbm>>
      tpu.enqueue_dma source(%dma_start3A_94 : memref<8x128xi32, #tpu.memory_space<hbm>>) target(%dma_start3A_92 : memref<8x128xi32, #tpu.memory_space<vmem>>) target_semaphore(%run_scoped3A_82 : memref<!tpu.dma_semaphore, #tpu.memory_space<semaphore_mem>>)
      %dma_wait3A_95 = arith.constant 0 : i32
      %dma_wait3A_96 = arith.constant 0 : i32
      %dma_wait3A_97 = tpu.memref_slice %arg5[%run_scoped3A, %dma_wait3A_95, %dma_wait3A_96] : memref<2x8x128xi32, #tpu.memory_space<vmem>> -> memref<1x8x128xi32, #tpu.memory_space<vmem>>
      %dma_wait3A_98 = tpu.memref_squeeze %dma_wait3A_97 : memref<1x8x128xi32, #tpu.memory_space<vmem>> -> memref<8x128xi32, #tpu.memory_space<vmem>>
      %dma_wait3A_99 = arith.constant 0 : i32
      %dma_wait3A_100 = tpu.memref_slice %arg2[%add3A_6, %dma_wait3A_99] : memref<6400x128xi32, #tpu.memory_space<hbm>> -> memref<8x128xi32, #tpu.memory_space<hbm>>
      %dma_wait3A_101 = arith.constant 0 : i32
      %dma_wait3A_102 = arith.constant 0 : i32
      %dma_wait3A_103 = tpu.memref_slice %arg5[%run_scoped3A, %dma_wait3A_101, %dma_wait3A_102] : memref<2x8x128xi32, #tpu.memory_space<vmem>> -> memref<1x8x128xi32, #tpu.memory_space<vmem>>
      %dma_wait3A_104 = tpu.memref_squeeze %dma_wait3A_103 : memref<1x8x128xi32, #tpu.memory_space<vmem>> -> memref<8x128xi32, #tpu.memory_space<vmem>>
      %dma_wait3A_105 = arith.constant 0 : i32
      %dma_wait3A_106 = tpu.memref_slice %arg2[%add3A_6, %dma_wait3A_105] : memref<6400x128xi32, #tpu.memory_space<hbm>> -> memref<8x128xi32, #tpu.memory_space<hbm>>
      tpu.wait_dma2 semaphore(%run_scoped3A_82 : memref<!tpu.dma_semaphore, #tpu.memory_space<semaphore_mem>>) src(%dma_wait3A_106 : memref<8x128xi32, #tpu.memory_space<hbm>>) dst(%dma_wait3A_104 : memref<8x128xi32, #tpu.memory_space<vmem>>)
      tpu.yield
    }) : () -> ()
    %dma_start3A = arith.constant 0 : i32
    %dma_start3A_7 = arith.constant 0 : i32
    %dma_start3A_8 = arith.constant 0 : i32
    %dma_start3A_9 = arith.constant 0 : i32
    %dma_start3A_10 = arith.constant 0 : i32
    %dma_start3A_11 = tpu.memref_slice %arg6[%dma_start3A_8, %dma_start3A_9, %dma_start3A_10] : memref<5x128x128xf32, #tpu.memory_space<vmem>> -> memref<1x128x128xf32, #tpu.memory_space<vmem>>
    %dma_start3A_12 = tpu.memref_squeeze %dma_start3A_11 : memref<1x128x128xf32, #tpu.memory_space<vmem>> -> memref<128x128xf32, #tpu.memory_space<vmem>>
    %dma_start3A_13 = arith.constant 0 : i32
    %dma_start3A_14 = tpu.memref_slice %arg5[%dma_start3A, %dma_start3A_7, %dma_start3A_13] : memref<2x8x128xi32, #tpu.memory_space<vmem>> -> memref<1x1x128xi32, #tpu.memory_space<vmem>>
    %dma_start3A_15 = tpu.memref_squeeze %dma_start3A_14 : memref<1x1x128xi32, #tpu.memory_space<vmem>> -> memref<128xi32, #tpu.memory_space<vmem>>
    %dma_start3A_16 = arith.constant 0 : i32
    %dma_start3A_17 = arith.constant 0 : i32
    %dma_start3A_18 = tpu.memref_slice %arg3[%dma_start3A_16, %dma_start3A_17] : memref<1000000x128xf32, #tpu.memory_space<hbm>> -> memref<1000000x128xf32, #tpu.memory_space<hbm>>
    tpu.enqueue_indirect_dma source(%dma_start3A_18 : memref<1000000x128xf32, #tpu.memory_space<hbm>>) target(%dma_start3A_12 : memref<128x128xf32, #tpu.memory_space<vmem>>) offsets(%dma_start3A_15 : memref<128xi32, #tpu.memory_space<vmem>>) semaphore(%arg7 : memref<!tpu.dma_semaphore, #tpu.memory_space<semaphore_mem>>)
    %dma_start3A_19 = arith.constant 0 : i32
    %dma_start3A_20 = arith.constant 1 : i32
    %dma_start3A_21 = arith.constant 1 : i32
    %dma_start3A_22 = arith.constant 0 : i32
    %dma_start3A_23 = arith.constant 0 : i32
    %dma_start3A_24 = tpu.memref_slice %arg6[%dma_start3A_21, %dma_start3A_22, %dma_start3A_23] : memref<5x128x128xf32, #tpu.memory_space<vmem>> -> memref<1x128x128xf32, #tpu.memory_space<vmem>>
    %dma_start3A_25 = tpu.memref_squeeze %dma_start3A_24 : memref<1x128x128xf32, #tpu.memory_space<vmem>> -> memref<128x128xf32, #tpu.memory_space<vmem>>
    %dma_start3A_26 = arith.constant 0 : i32
    %dma_start3A_27 = tpu.memref_slice %arg5[%dma_start3A_19, %dma_start3A_20, %dma_start3A_26] : memref<2x8x128xi32, #tpu.memory_space<vmem>> -> memref<1x1x128xi32, #tpu.memory_space<vmem>>
    %dma_start3A_28 = tpu.memref_squeeze %dma_start3A_27 : memref<1x1x128xi32, #tpu.memory_space<vmem>> -> memref<128xi32, #tpu.memory_space<vmem>>
    %dma_start3A_29 = arith.constant 0 : i32
    %dma_start3A_30 = arith.constant 0 : i32
    %dma_start3A_31 = tpu.memref_slice %arg3[%dma_start3A_29, %dma_start3A_30] : memref<1000000x128xf32, #tpu.memory_space<hbm>> -> memref<1000000x128xf32, #tpu.memory_space<hbm>>
    tpu.enqueue_indirect_dma source(%dma_start3A_31 : memref<1000000x128xf32, #tpu.memory_space<hbm>>) target(%dma_start3A_25 : memref<128x128xf32, #tpu.memory_space<vmem>>) offsets(%dma_start3A_28 : memref<128xi32, #tpu.memory_space<vmem>>) semaphore(%arg7 : memref<!tpu.dma_semaphore, #tpu.memory_space<semaphore_mem>>)
    %scan3A = arith.constant 0 : i32
    %scan3A_32 = arith.constant 0 : i32
    %scan3A_33 = arith.constant 40 : i32
    %scan3A_34 = arith.addi %scan3A_32, %scan3A_33 : i32
    %scan3A_35 = arith.constant 1 : i32
    %scan3A_36 = scf.for %scan3A_82 = %scan3A_32 to %scan3A_34 step %scan3A_35 iter_args(%scan3A_83 = %scan3A) -> (i32)  : i32 {
      %mul3A_84 = arith.constant 5 : i32
      %mul3A_85 = arith.muli %scan3A_82, %mul3A_84 : i32
      %add3A_86 = arith.constant 0 : i32
      %add3A_87 = arith.addi %mul3A_85, %add3A_86 : i32
      %ge3A = arith.constant 3 : i32
      %ge3A_88 = arith.cmpi sge, %add3A_87, %ge3A : i32
      %convert_element_type3A = arith.extui %ge3A_88 : i1 to i32
      %cond3A = arith.constant 0 : i32
      %cond3A_89 = arith.cmpi ne, %convert_element_type3A, %cond3A : i32
      scf.if %cond3A_89 {
        %sub3A_567 = arith.constant 3 : i32
        %sub3A_568 = arith.subi %add3A_87, %sub3A_567 : i32
        %mul3A_569 = arith.constant 128 : i32
        %mul3A_570 = arith.muli %sub3A_568, %mul3A_569 : i32
        %add3A_571 = arith.addi %mul3A_4, %mul3A_570 : i32
        %dma_wait3A_572 = arith.constant 2 : i32
        %dma_wait3A_573 = arith.constant 0 : i32
        %dma_wait3A_574 = arith.constant 0 : i32
        %dma_wait3A_575 = tpu.memref_slice %arg6[%dma_wait3A_572, %dma_wait3A_573, %dma_wait3A_574] : memref<5x128x128xf32, #tpu.memory_space<vmem>> -> memref<1x128x128xf32, #tpu.memory_space<vmem>>
        %dma_wait3A_576 = tpu.memref_squeeze %dma_wait3A_575 : memref<1x128x128xf32, #tpu.memory_space<vmem>> -> memref<128x128xf32, #tpu.memory_space<vmem>>
        %dma_wait3A_577 = arith.constant 0 : i32
        %dma_wait3A_578 = tpu.memref_slice %arg4[%add3A_571, %dma_wait3A_577] : memref<819200x128xf32, #tpu.memory_space<hbm>> -> memref<128x128xf32, #tpu.memory_space<hbm>>
        %dma_wait3A_579 = arith.constant 0 : i32
        %dma_wait3A_580 = tpu.memref_slice %arg4[%add3A_571, %dma_wait3A_579] : memref<819200x128xf32, #tpu.memory_space<hbm>> -> memref<128x128xf32, #tpu.memory_space<hbm>>
        %dma_wait3A_581 = arith.constant 0 : i32
        %dma_wait3A_582 = arith.constant 0 : i32
        %dma_wait3A_583 = tpu.memref_slice %arg6[%dma_wait3A_572, %dma_wait3A_581, %dma_wait3A_582] : memref<5x128x128xf32, #tpu.memory_space<vmem>> -> memref<1x128x128xf32, #tpu.memory_space<vmem>>
        %dma_wait3A_584 = tpu.memref_squeeze %dma_wait3A_583 : memref<1x128x128xf32, #tpu.memory_space<vmem>> -> memref<128x128xf32, #tpu.memory_space<vmem>>
        tpu.wait_dma2 semaphore(%arg8 : memref<!tpu.dma_semaphore, #tpu.memory_space<semaphore_mem>>) src(%dma_wait3A_584 : memref<128x128xf32, #tpu.memory_space<vmem>>) dst(%dma_wait3A_580 : memref<128x128xf32, #tpu.memory_space<hbm>>)
      } else {
      }
      %add3A_90 = arith.constant 2 : i32
      %add3A_91 = arith.addi %add3A_87, %add3A_90 : i32
      %lt3A = arith.constant 200 : i32
      %lt3A_92 = arith.cmpi slt, %add3A_91, %lt3A : i32
      %convert_element_type3A_93 = arith.extui %lt3A_92 : i1 to i32
      %cond3A_94 = arith.constant 0 : i32
      %cond3A_95 = arith.cmpi ne, %convert_element_type3A_93, %cond3A_94 : i32
      scf.if %cond3A_95 {
        %jit3A_567 = arith.constant 8 : i32
        %eq3A_568 = arith.constant 0 : i32
        %eq3A_569 = arith.cmpi eq, %jit3A_567, %eq3A_568 : i32
        %jit3A_570 = arith.constant 1 : i32
        %select_n3A_571 = arith.select %eq3A_569, %jit3A_570, %jit3A_567 : i32
        %rem3A_572 = arith.remsi %add3A_91, %select_n3A_571 : i32
        %ne3A_573 = arith.constant 0 : i32
        %ne3A_574 = arith.cmpi ne, %rem3A_572, %ne3A_573 : i32
        %lt3A_575 = arith.constant 0 : i32
        %lt3A_576 = arith.cmpi slt, %rem3A_572, %lt3A_575 : i32
        %lt3A_577 = arith.constant 0 : i32
        %lt3A_578 = arith.cmpi slt, %select_n3A_571, %lt3A_577 : i32
        %ne3A_579 = arith.xori %lt3A_576, %lt3A_578 : i1
        %and3A_580 = arith.andi %ne3A_579, %ne3A_574 : i1
        %add3A_581 = arith.addi %rem3A_572, %select_n3A_571 : i32
        %select_n3A_582 = arith.select %and3A_580, %add3A_581, %rem3A_572 : i32
        %eq3A_583 = arith.constant 0 : i32
        %eq3A_584 = arith.cmpi eq, %select_n3A_582, %eq3A_583 : i32
        %convert_element_type3A_585 = arith.extui %eq3A_584 : i1 to i32
        %cond3A_586 = arith.constant 0 : i32
        %cond3A_587 = arith.cmpi ne, %convert_element_type3A_585, %cond3A_586 : i32
        scf.if %cond3A_587 {
          %jit3A_655 = arith.constant 8 : i32
          %div3A_656 = arith.divsi %add3A_91, %jit3A_655 : i32
          %sign3A_657 = arith.constant 0 : i32
          %sign3A_658 = arith.cmpi sgt, %add3A_91, %sign3A_657 : i32
          %sign3A_659 = arith.extui %sign3A_658 : i1 to i32
          %sign3A_660 = arith.constant 0 : i32
          %sign3A_661 = arith.cmpi slt, %add3A_91, %sign3A_660 : i32
          %sign3A_662 = arith.extui %sign3A_661 : i1 to i32
          %sign3A_663 = arith.subi %sign3A_659, %sign3A_662 : i32
          %sign3A_664 = arith.constant 0 : i32
          %sign3A_665 = arith.cmpi sgt, %jit3A_655, %sign3A_664 : i32
          %sign3A_666 = arith.extui %sign3A_665 : i1 to i32
          %sign3A_667 = arith.constant 0 : i32
          %sign3A_668 = arith.cmpi slt, %jit3A_655, %sign3A_667 : i32
          %sign3A_669 = arith.extui %sign3A_668 : i1 to i32
          %sign3A_670 = arith.subi %sign3A_666, %sign3A_669 : i32
          %ne3A_671 = arith.cmpi ne, %sign3A_663, %sign3A_670 : i32
          %rem3A_672 = arith.remsi %add3A_91, %jit3A_655 : i32
          %ne3A_673 = arith.constant 0 : i32
          %ne3A_674 = arith.cmpi ne, %rem3A_672, %ne3A_673 : i32
          %and3A_675 = arith.andi %ne3A_671, %ne3A_674 : i1
          %sub3A_676 = arith.constant 1 : i32
          %sub3A_677 = arith.subi %div3A_656, %sub3A_676 : i32
          %select_n3A_678 = arith.select %and3A_675, %sub3A_677, %div3A_656 : i32
          %mul3A_679 = arith.constant 8 : i32
          %mul3A_680 = arith.muli %select_n3A_678, %mul3A_679 : i32
          %add3A_681 = arith.addi %mul3A_2, %mul3A_680 : i32
          %jit3A_682 = arith.constant 2 : i32
          %eq3A_683 = arith.constant 0 : i32
          %eq3A_684 = arith.cmpi eq, %jit3A_682, %eq3A_683 : i32
          %jit3A_685 = arith.constant 1 : i32
          %select_n3A_686 = arith.select %eq3A_684, %jit3A_685, %jit3A_682 : i32
          %rem3A_687 = arith.remsi %select_n3A_678, %select_n3A_686 : i32
          %ne3A_688 = arith.constant 0 : i32
          %ne3A_689 = arith.cmpi ne, %rem3A_687, %ne3A_688 : i32
          %lt3A_690 = arith.constant 0 : i32
          %lt3A_691 = arith.cmpi slt, %rem3A_687, %lt3A_690 : i32
          %lt3A_692 = arith.constant 0 : i32
          %lt3A_693 = arith.cmpi slt, %select_n3A_686, %lt3A_692 : i32
          %ne3A_694 = arith.xori %lt3A_691, %lt3A_693 : i1
          %and3A_695 = arith.andi %ne3A_694, %ne3A_689 : i1
          %add3A_696 = arith.addi %rem3A_687, %select_n3A_686 : i32
          %select_n3A_697 = arith.select %and3A_695, %add3A_696, %rem3A_687 : i32
          "tpu.region"() ({
            %run_scoped3A_698 = tpu.sem_alloc : memref<!tpu.dma_semaphore, #tpu.memory_space<semaphore_mem>>
            %dma_start3A_699 = arith.constant 0 : i32
            %dma_start3A_700 = arith.constant 0 : i32
            %dma_start3A_701 = tpu.memref_slice %arg5[%select_n3A_697, %dma_start3A_699, %dma_start3A_700] : memref<2x8x128xi32, #tpu.memory_space<vmem>> -> memref<1x8x128xi32, #tpu.memory_space<vmem>>
            %dma_start3A_702 = tpu.memref_squeeze %dma_start3A_701 : memref<1x8x128xi32, #tpu.memory_space<vmem>> -> memref<8x128xi32, #tpu.memory_space<vmem>>
            %dma_start3A_703 = arith.constant 0 : i32
            %dma_start3A_704 = tpu.memref_slice %arg2[%add3A_681, %dma_start3A_703] : memref<6400x128xi32, #tpu.memory_space<hbm>> -> memref<8x128xi32, #tpu.memory_space<hbm>>
            %dma_start3A_705 = arith.constant 0 : i32
            %dma_start3A_706 = arith.constant 0 : i32
            %dma_start3A_707 = tpu.memref_slice %arg5[%select_n3A_697, %dma_start3A_705, %dma_start3A_706] : memref<2x8x128xi32, #tpu.memory_space<vmem>> -> memref<1x8x128xi32, #tpu.memory_space<vmem>>
            %dma_start3A_708 = tpu.memref_squeeze %dma_start3A_707 : memref<1x8x128xi32, #tpu.memory_space<vmem>> -> memref<8x128xi32, #tpu.memory_space<vmem>>
            %dma_start3A_709 = arith.constant 0 : i32
            %dma_start3A_710 = tpu.memref_slice %arg2[%add3A_681, %dma_start3A_709] : memref<6400x128xi32, #tpu.memory_space<hbm>> -> memref<8x128xi32, #tpu.memory_space<hbm>>
            tpu.enqueue_dma source(%dma_start3A_710 : memref<8x128xi32, #tpu.memory_space<hbm>>) target(%dma_start3A_708 : memref<8x128xi32, #tpu.memory_space<vmem>>) target_semaphore(%run_scoped3A_698 : memref<!tpu.dma_semaphore, #tpu.memory_space<semaphore_mem>>)
            %dma_wait3A_711 = arith.constant 0 : i32
            %dma_wait3A_712 = arith.constant 0 : i32
            %dma_wait3A_713 = tpu.memref_slice %arg5[%select_n3A_697, %dma_wait3A_711, %dma_wait3A_712] : memref<2x8x128xi32, #tpu.memory_space<vmem>> -> memref<1x8x128xi32, #tpu.memory_space<vmem>>
            %dma_wait3A_714 = tpu.memref_squeeze %dma_wait3A_713 : memref<1x8x128xi32, #tpu.memory_space<vmem>> -> memref<8x128xi32, #tpu.memory_space<vmem>>
            %dma_wait3A_715 = arith.constant 0 : i32
            %dma_wait3A_716 = tpu.memref_slice %arg2[%add3A_681, %dma_wait3A_715] : memref<6400x128xi32, #tpu.memory_space<hbm>> -> memref<8x128xi32, #tpu.memory_space<hbm>>
            %dma_wait3A_717 = arith.constant 0 : i32
            %dma_wait3A_718 = arith.constant 0 : i32
            %dma_wait3A_719 = tpu.memref_slice %arg5[%select_n3A_697, %dma_wait3A_717, %dma_wait3A_718] : memref<2x8x128xi32, #tpu.memory_space<vmem>> -> memref<1x8x128xi32, #tpu.memory_space<vmem>>
            %dma_wait3A_720 = tpu.memref_squeeze %dma_wait3A_719 : memref<1x8x128xi32, #tpu.memory_space<vmem>> -> memref<8x128xi32, #tpu.memory_space<vmem>>
            %dma_wait3A_721 = arith.constant 0 : i32
            %dma_wait3A_722 = tpu.memref_slice %arg2[%add3A_681, %dma_wait3A_721] : memref<6400x128xi32, #tpu.memory_space<hbm>> -> memref<8x128xi32, #tpu.memory_space<hbm>>
            tpu.wait_dma2 semaphore(%run_scoped3A_698 : memref<!tpu.dma_semaphore, #tpu.memory_space<semaphore_mem>>) src(%dma_wait3A_722 : memref<8x128xi32, #tpu.memory_space<hbm>>) dst(%dma_wait3A_720 : memref<8x128xi32, #tpu.memory_space<vmem>>)
            tpu.yield
          }) : () -> ()
        } else {
        }
        %jit3A_588 = arith.constant 8 : i32
        %div3A_589 = arith.divsi %add3A_91, %jit3A_588 : i32
        %sign3A_590 = arith.constant 0 : i32
        %sign3A_591 = arith.cmpi sgt, %add3A_91, %sign3A_590 : i32
        %sign3A_592 = arith.extui %sign3A_591 : i1 to i32
        %sign3A_593 = arith.constant 0 : i32
        %sign3A_594 = arith.cmpi slt, %add3A_91, %sign3A_593 : i32
        %sign3A_595 = arith.extui %sign3A_594 : i1 to i32
        %sign3A_596 = arith.subi %sign3A_592, %sign3A_595 : i32
        %sign3A_597 = arith.constant 0 : i32
        %sign3A_598 = arith.cmpi sgt, %jit3A_588, %sign3A_597 : i32
        %sign3A_599 = arith.extui %sign3A_598 : i1 to i32
        %sign3A_600 = arith.constant 0 : i32
        %sign3A_601 = arith.cmpi slt, %jit3A_588, %sign3A_600 : i32
        %sign3A_602 = arith.extui %sign3A_601 : i1 to i32
        %sign3A_603 = arith.subi %sign3A_599, %sign3A_602 : i32
        %ne3A_604 = arith.cmpi ne, %sign3A_596, %sign3A_603 : i32
        %rem3A_605 = arith.remsi %add3A_91, %jit3A_588 : i32
        %ne3A_606 = arith.constant 0 : i32
        %ne3A_607 = arith.cmpi ne, %rem3A_605, %ne3A_606 : i32
        %and3A_608 = arith.andi %ne3A_604, %ne3A_607 : i1
        %sub3A_609 = arith.constant 1 : i32
        %sub3A_610 = arith.subi %div3A_589, %sub3A_609 : i32
        %select_n3A_611 = arith.select %and3A_608, %sub3A_610, %div3A_589 : i32
        %jit3A_612 = arith.constant 2 : i32
        %eq3A_613 = arith.constant 0 : i32
        %eq3A_614 = arith.cmpi eq, %jit3A_612, %eq3A_613 : i32
        %jit3A_615 = arith.constant 1 : i32
        %select_n3A_616 = arith.select %eq3A_614, %jit3A_615, %jit3A_612 : i32
        %rem3A_617 = arith.remsi %select_n3A_611, %select_n3A_616 : i32
        %ne3A_618 = arith.constant 0 : i32
        %ne3A_619 = arith.cmpi ne, %rem3A_617, %ne3A_618 : i32
        %lt3A_620 = arith.constant 0 : i32
        %lt3A_621 = arith.cmpi slt, %rem3A_617, %lt3A_620 : i32
        %lt3A_622 = arith.constant 0 : i32
        %lt3A_623 = arith.cmpi slt, %select_n3A_616, %lt3A_622 : i32
        %ne3A_624 = arith.xori %lt3A_621, %lt3A_623 : i1
        %and3A_625 = arith.andi %ne3A_624, %ne3A_619 : i1
        %add3A_626 = arith.addi %rem3A_617, %select_n3A_616 : i32
        %select_n3A_627 = arith.select %and3A_625, %add3A_626, %rem3A_617 : i32
        %jit3A_628 = arith.constant 8 : i32
        %eq3A_629 = arith.constant 0 : i32
        %eq3A_630 = arith.cmpi eq, %jit3A_628, %eq3A_629 : i32
        %jit3A_631 = arith.constant 1 : i32
        %select_n3A_632 = arith.select %eq3A_630, %jit3A_631, %jit3A_628 : i32
        %rem3A_633 = arith.remsi %add3A_91, %select_n3A_632 : i32
        %ne3A_634 = arith.constant 0 : i32
        %ne3A_635 = arith.cmpi ne, %rem3A_633, %ne3A_634 : i32
        %lt3A_636 = arith.constant 0 : i32
        %lt3A_637 = arith.cmpi slt, %rem3A_633, %lt3A_636 : i32
        %lt3A_638 = arith.constant 0 : i32
        %lt3A_639 = arith.cmpi slt, %select_n3A_632, %lt3A_638 : i32
        %ne3A_640 = arith.xori %lt3A_637, %lt3A_639 : i1
        %and3A_641 = arith.andi %ne3A_640, %ne3A_635 : i1
        %add3A_642 = arith.addi %rem3A_633, %select_n3A_632 : i32
        %select_n3A_643 = arith.select %and3A_641, %add3A_642, %rem3A_633 : i32
        %dma_start3A_644 = arith.constant 2 : i32
        %dma_start3A_645 = arith.constant 0 : i32
        %dma_start3A_646 = arith.constant 0 : i32
        %dma_start3A_647 = tpu.memref_slice %arg6[%dma_start3A_644, %dma_start3A_645, %dma_start3A_646] : memref<5x128x128xf32, #tpu.memory_space<vmem>> -> memref<1x128x128xf32, #tpu.memory_space<vmem>>
        %dma_start3A_648 = tpu.memref_squeeze %dma_start3A_647 : memref<1x128x128xf32, #tpu.memory_space<vmem>> -> memref<128x128xf32, #tpu.memory_space<vmem>>
        %dma_start3A_649 = arith.constant 0 : i32
        %dma_start3A_650 = tpu.memref_slice %arg5[%select_n3A_627, %select_n3A_643, %dma_start3A_649] : memref<2x8x128xi32, #tpu.memory_space<vmem>> -> memref<1x1x128xi32, #tpu.memory_space<vmem>>
        %dma_start3A_651 = tpu.memref_squeeze %dma_start3A_650 : memref<1x1x128xi32, #tpu.memory_space<vmem>> -> memref<128xi32, #tpu.memory_space<vmem>>
        %dma_start3A_652 = arith.constant 0 : i32
        %dma_start3A_653 = arith.constant 0 : i32
        %dma_start3A_654 = tpu.memref_slice %arg3[%dma_start3A_652, %dma_start3A_653] : memref<1000000x128xf32, #tpu.memory_space<hbm>> -> memref<1000000x128xf32, #tpu.memory_space<hbm>>
        tpu.enqueue_indirect_dma source(%dma_start3A_654 : memref<1000000x128xf32, #tpu.memory_space<hbm>>) target(%dma_start3A_648 : memref<128x128xf32, #tpu.memory_space<vmem>>) offsets(%dma_start3A_651 : memref<128xi32, #tpu.memory_space<vmem>>) semaphore(%arg7 : memref<!tpu.dma_semaphore, #tpu.memory_space<semaphore_mem>>)
      } else {
      }
      %jit3A = arith.constant 8 : i32
      %div3A = arith.divsi %add3A_87, %jit3A : i32
      %sign3A = arith.constant 0 : i32
      %sign3A_96 = arith.cmpi sgt, %add3A_87, %sign3A : i32
      %sign3A_97 = arith.extui %sign3A_96 : i1 to i32
      %sign3A_98 = arith.constant 0 : i32
      %sign3A_99 = arith.cmpi slt, %add3A_87, %sign3A_98 : i32
      %sign3A_100 = arith.extui %sign3A_99 : i1 to i32
      %sign3A_101 = arith.subi %sign3A_97, %sign3A_100 : i32
      %sign3A_102 = arith.constant 0 : i32
      %sign3A_103 = arith.cmpi sgt, %jit3A, %sign3A_102 : i32
      %sign3A_104 = arith.extui %sign3A_103 : i1 to i32
      %sign3A_105 = arith.constant 0 : i32
      %sign3A_106 = arith.cmpi slt, %jit3A, %sign3A_105 : i32
      %sign3A_107 = arith.extui %sign3A_106 : i1 to i32
      %sign3A_108 = arith.subi %sign3A_104, %sign3A_107 : i32
      %ne3A = arith.cmpi ne, %sign3A_101, %sign3A_108 : i32
      %rem3A = arith.remsi %add3A_87, %jit3A : i32
      %ne3A_109 = arith.constant 0 : i32
      %ne3A_110 = arith.cmpi ne, %rem3A, %ne3A_109 : i32
      %and3A = arith.andi %ne3A, %ne3A_110 : i1
      %sub3A = arith.constant 1 : i32
      %sub3A_111 = arith.subi %div3A, %sub3A : i32
      %select_n3A = arith.select %and3A, %sub3A_111, %div3A : i32
      %jit3A_112 = arith.constant 2 : i32
      %eq3A = arith.constant 0 : i32
      %eq3A_113 = arith.cmpi eq, %jit3A_112, %eq3A : i32
      %jit3A_114 = arith.constant 1 : i32
      %select_n3A_115 = arith.select %eq3A_113, %jit3A_114, %jit3A_112 : i32
      %rem3A_116 = arith.remsi %select_n3A, %select_n3A_115 : i32
      %ne3A_117 = arith.constant 0 : i32
      %ne3A_118 = arith.cmpi ne, %rem3A_116, %ne3A_117 : i32
      %lt3A_119 = arith.constant 0 : i32
      %lt3A_120 = arith.cmpi slt, %rem3A_116, %lt3A_119 : i32
      %lt3A_121 = arith.constant 0 : i32
      %lt3A_122 = arith.cmpi slt, %select_n3A_115, %lt3A_121 : i32
      %ne3A_123 = arith.xori %lt3A_120, %lt3A_122 : i1
      %and3A_124 = arith.andi %ne3A_123, %ne3A_118 : i1
      %add3A_125 = arith.addi %rem3A_116, %select_n3A_115 : i32
      %select_n3A_126 = arith.select %and3A_124, %add3A_125, %rem3A_116 : i32
      %jit3A_127 = arith.constant 8 : i32
      %eq3A_128 = arith.constant 0 : i32
      %eq3A_129 = arith.cmpi eq, %jit3A_127, %eq3A_128 : i32
      %jit3A_130 = arith.constant 1 : i32
      %select_n3A_131 = arith.select %eq3A_129, %jit3A_130, %jit3A_127 : i32
      %rem3A_132 = arith.remsi %add3A_87, %select_n3A_131 : i32
      %ne3A_133 = arith.constant 0 : i32
      %ne3A_134 = arith.cmpi ne, %rem3A_132, %ne3A_133 : i32
      %lt3A_135 = arith.constant 0 : i32
      %lt3A_136 = arith.cmpi slt, %rem3A_132, %lt3A_135 : i32
      %lt3A_137 = arith.constant 0 : i32
      %lt3A_138 = arith.cmpi slt, %select_n3A_131, %lt3A_137 : i32
      %ne3A_139 = arith.xori %lt3A_136, %lt3A_138 : i1
      %and3A_140 = arith.andi %ne3A_139, %ne3A_134 : i1
      %add3A_141 = arith.addi %rem3A_132, %select_n3A_131 : i32
      %select_n3A_142 = arith.select %and3A_140, %add3A_141, %rem3A_132 : i32
      %dma_wait3A_143 = arith.constant 0 : i32
      %dma_wait3A_144 = arith.constant 0 : i32
      %dma_wait3A_145 = arith.constant 0 : i32
      %dma_wait3A_146 = tpu.memref_slice %arg6[%dma_wait3A_143, %dma_wait3A_144, %dma_wait3A_145] : memref<5x128x128xf32, #tpu.memory_space<vmem>> -> memref<1x128x128xf32, #tpu.memory_space<vmem>>
      %dma_wait3A_147 = tpu.memref_squeeze %dma_wait3A_146 : memref<1x128x128xf32, #tpu.memory_space<vmem>> -> memref<128x128xf32, #tpu.memory_space<vmem>>
      %dma_wait3A_148 = arith.constant 0 : i32
      %dma_wait3A_149 = tpu.memref_slice %arg5[%select_n3A_126, %select_n3A_142, %dma_wait3A_148] : memref<2x8x128xi32, #tpu.memory_space<vmem>> -> memref<1x1x128xi32, #tpu.memory_space<vmem>>
      %dma_wait3A_150 = tpu.memref_squeeze %dma_wait3A_149 : memref<1x1x128xi32, #tpu.memory_space<vmem>> -> memref<128xi32, #tpu.memory_space<vmem>>
      %dma_wait3A_151 = arith.constant 0 : i32
      %dma_wait3A_152 = arith.constant 0 : i32
      %dma_wait3A_153 = tpu.memref_slice %arg3[%dma_wait3A_151, %dma_wait3A_152] : memref<1000000x128xf32, #tpu.memory_space<hbm>> -> memref<1000000x128xf32, #tpu.memory_space<hbm>>
      tpu.wait_indirect_dma semaphore(%arg7 : memref<!tpu.dma_semaphore, #tpu.memory_space<semaphore_mem>>) src(%dma_wait3A_153 : memref<1000000x128xf32, #tpu.memory_space<hbm>>) dst(%dma_wait3A_147 : memref<128x128xf32, #tpu.memory_space<vmem>>)
      %mul3A_154 = arith.constant 128 : i32
      %mul3A_155 = arith.muli %add3A_87, %mul3A_154 : i32
      %add3A_156 = arith.addi %mul3A_4, %mul3A_155 : i32
      %dma_start3A_157 = arith.constant 0 : i32
      %dma_start3A_158 = arith.constant 0 : i32
      %dma_start3A_159 = arith.constant 0 : i32
      %dma_start3A_160 = tpu.memref_slice %arg6[%dma_start3A_157, %dma_start3A_158, %dma_start3A_159] : memref<5x128x128xf32, #tpu.memory_space<vmem>> -> memref<1x128x128xf32, #tpu.memory_space<vmem>>
      %dma_start3A_161 = tpu.memref_squeeze %dma_start3A_160 : memref<1x128x128xf32, #tpu.memory_space<vmem>> -> memref<128x128xf32, #tpu.memory_space<vmem>>
      %dma_start3A_162 = arith.constant 0 : i32
      %dma_start3A_163 = tpu.memref_slice %arg4[%add3A_156, %dma_start3A_162] : memref<819200x128xf32, #tpu.memory_space<hbm>> -> memref<128x128xf32, #tpu.memory_space<hbm>>
      %dma_start3A_164 = arith.constant 0 : i32
      %dma_start3A_165 = tpu.memref_slice %arg4[%add3A_156, %dma_start3A_164] : memref<819200x128xf32, #tpu.memory_space<hbm>> -> memref<128x128xf32, #tpu.memory_space<hbm>>
      %dma_start3A_166 = arith.constant 0 : i32
      %dma_start3A_167 = arith.constant 0 : i32
      %dma_start3A_168 = tpu.memref_slice %arg6[%dma_start3A_157, %dma_start3A_166, %dma_start3A_167] : memref<5x128x128xf32, #tpu.memory_space<vmem>> -> memref<1x128x128xf32, #tpu.memory_space<vmem>>
      %dma_start3A_169 = tpu.memref_squeeze %dma_start3A_168 : memref<1x128x128xf32, #tpu.memory_space<vmem>> -> memref<128x128xf32, #tpu.memory_space<vmem>>
      tpu.enqueue_dma source(%dma_start3A_169 : memref<128x128xf32, #tpu.memory_space<vmem>>) target(%dma_start3A_165 : memref<128x128xf32, #tpu.memory_space<hbm>>) target_semaphore(%arg8 : memref<!tpu.dma_semaphore, #tpu.memory_space<semaphore_mem>>)
      %mul3A_170 = arith.constant 5 : i32
      %mul3A_171 = arith.muli %scan3A_82, %mul3A_170 : i32
      %add3A_172 = arith.constant 1 : i32
      %add3A_173 = arith.addi %mul3A_171, %add3A_172 : i32
      %ge3A_174 = arith.constant 3 : i32
      %ge3A_175 = arith.cmpi sge, %add3A_173, %ge3A_174 : i32
      %convert_element_type3A_176 = arith.extui %ge3A_175 : i1 to i32
      %cond3A_177 = arith.constant 0 : i32
      %cond3A_178 = arith.cmpi ne, %convert_element_type3A_176, %cond3A_177 : i32
      scf.if %cond3A_178 {
        %sub3A_567 = arith.constant 3 : i32
        %sub3A_568 = arith.subi %add3A_173, %sub3A_567 : i32
        %mul3A_569 = arith.constant 128 : i32
        %mul3A_570 = arith.muli %sub3A_568, %mul3A_569 : i32
        %add3A_571 = arith.addi %mul3A_4, %mul3A_570 : i32
        %dma_wait3A_572 = arith.constant 3 : i32
        %dma_wait3A_573 = arith.constant 0 : i32
        %dma_wait3A_574 = arith.constant 0 : i32
        %dma_wait3A_575 = tpu.memref_slice %arg6[%dma_wait3A_572, %dma_wait3A_573, %dma_wait3A_574] : memref<5x128x128xf32, #tpu.memory_space<vmem>> -> memref<1x128x128xf32, #tpu.memory_space<vmem>>
        %dma_wait3A_576 = tpu.memref_squeeze %dma_wait3A_575 : memref<1x128x128xf32, #tpu.memory_space<vmem>> -> memref<128x128xf32, #tpu.memory_space<vmem>>
        %dma_wait3A_577 = arith.constant 0 : i32
        %dma_wait3A_578 = tpu.memref_slice %arg4[%add3A_571, %dma_wait3A_577] : memref<819200x128xf32, #tpu.memory_space<hbm>> -> memref<128x128xf32, #tpu.memory_space<hbm>>
        %dma_wait3A_579 = arith.constant 0 : i32
        %dma_wait3A_580 = tpu.memref_slice %arg4[%add3A_571, %dma_wait3A_579] : memref<819200x128xf32, #tpu.memory_space<hbm>> -> memref<128x128xf32, #tpu.memory_space<hbm>>
        %dma_wait3A_581 = arith.constant 0 : i32
        %dma_wait3A_582 = arith.constant 0 : i32
        %dma_wait3A_583 = tpu.memref_slice %arg6[%dma_wait3A_572, %dma_wait3A_581, %dma_wait3A_582] : memref<5x128x128xf32, #tpu.memory_space<vmem>> -> memref<1x128x128xf32, #tpu.memory_space<vmem>>
        %dma_wait3A_584 = tpu.memref_squeeze %dma_wait3A_583 : memref<1x128x128xf32, #tpu.memory_space<vmem>> -> memref<128x128xf32, #tpu.memory_space<vmem>>
        tpu.wait_dma2 semaphore(%arg8 : memref<!tpu.dma_semaphore, #tpu.memory_space<semaphore_mem>>) src(%dma_wait3A_584 : memref<128x128xf32, #tpu.memory_space<vmem>>) dst(%dma_wait3A_580 : memref<128x128xf32, #tpu.memory_space<hbm>>)
      } else {
      }
      %add3A_179 = arith.constant 2 : i32
      %add3A_180 = arith.addi %add3A_173, %add3A_179 : i32
      %lt3A_181 = arith.constant 200 : i32
      %lt3A_182 = arith.cmpi slt, %add3A_180, %lt3A_181 : i32
      %convert_element_type3A_183 = arith.extui %lt3A_182 : i1 to i32
      %cond3A_184 = arith.constant 0 : i32
      %cond3A_185 = arith.cmpi ne, %convert_element_type3A_183, %cond3A_184 : i32
      scf.if %cond3A_185 {
        %jit3A_567 = arith.constant 8 : i32
        %eq3A_568 = arith.constant 0 : i32
        %eq3A_569 = arith.cmpi eq, %jit3A_567, %eq3A_568 : i32
        %jit3A_570 = arith.constant 1 : i32
        %select_n3A_571 = arith.select %eq3A_569, %jit3A_570, %jit3A_567 : i32
        %rem3A_572 = arith.remsi %add3A_180, %select_n3A_571 : i32
        %ne3A_573 = arith.constant 0 : i32
        %ne3A_574 = arith.cmpi ne, %rem3A_572, %ne3A_573 : i32
        %lt3A_575 = arith.constant 0 : i32
        %lt3A_576 = arith.cmpi slt, %rem3A_572, %lt3A_575 : i32
        %lt3A_577 = arith.constant 0 : i32
        %lt3A_578 = arith.cmpi slt, %select_n3A_571, %lt3A_577 : i32
        %ne3A_579 = arith.xori %lt3A_576, %lt3A_578 : i1
        %and3A_580 = arith.andi %ne3A_579, %ne3A_574 : i1
        %add3A_581 = arith.addi %rem3A_572, %select_n3A_571 : i32
        %select_n3A_582 = arith.select %and3A_580, %add3A_581, %rem3A_572 : i32
        %eq3A_583 = arith.constant 0 : i32
        %eq3A_584 = arith.cmpi eq, %select_n3A_582, %eq3A_583 : i32
        %convert_element_type3A_585 = arith.extui %eq3A_584 : i1 to i32
        %cond3A_586 = arith.constant 0 : i32
        %cond3A_587 = arith.cmpi ne, %convert_element_type3A_585, %cond3A_586 : i32
        scf.if %cond3A_587 {
          %jit3A_655 = arith.constant 8 : i32
          %div3A_656 = arith.divsi %add3A_180, %jit3A_655 : i32
          %sign3A_657 = arith.constant 0 : i32
          %sign3A_658 = arith.cmpi sgt, %add3A_180, %sign3A_657 : i32
          %sign3A_659 = arith.extui %sign3A_658 : i1 to i32
          %sign3A_660 = arith.constant 0 : i32
          %sign3A_661 = arith.cmpi slt, %add3A_180, %sign3A_660 : i32
          %sign3A_662 = arith.extui %sign3A_661 : i1 to i32
          %sign3A_663 = arith.subi %sign3A_659, %sign3A_662 : i32
          %sign3A_664 = arith.constant 0 : i32
          %sign3A_665 = arith.cmpi sgt, %jit3A_655, %sign3A_664 : i32
          %sign3A_666 = arith.extui %sign3A_665 : i1 to i32
          %sign3A_667 = arith.constant 0 : i32
          %sign3A_668 = arith.cmpi slt, %jit3A_655, %sign3A_667 : i32
          %sign3A_669 = arith.extui %sign3A_668 : i1 to i32
          %sign3A_670 = arith.subi %sign3A_666, %sign3A_669 : i32
          %ne3A_671 = arith.cmpi ne, %sign3A_663, %sign3A_670 : i32
          %rem3A_672 = arith.remsi %add3A_180, %jit3A_655 : i32
          %ne3A_673 = arith.constant 0 : i32
          %ne3A_674 = arith.cmpi ne, %rem3A_672, %ne3A_673 : i32
          %and3A_675 = arith.andi %ne3A_671, %ne3A_674 : i1
          %sub3A_676 = arith.constant 1 : i32
          %sub3A_677 = arith.subi %div3A_656, %sub3A_676 : i32
          %select_n3A_678 = arith.select %and3A_675, %sub3A_677, %div3A_656 : i32
          %mul3A_679 = arith.constant 8 : i32
          %mul3A_680 = arith.muli %select_n3A_678, %mul3A_679 : i32
          %add3A_681 = arith.addi %mul3A_2, %mul3A_680 : i32
          %jit3A_682 = arith.constant 2 : i32
          %eq3A_683 = arith.constant 0 : i32
          %eq3A_684 = arith.cmpi eq, %jit3A_682, %eq3A_683 : i32
          %jit3A_685 = arith.constant 1 : i32
          %select_n3A_686 = arith.select %eq3A_684, %jit3A_685, %jit3A_682 : i32
          %rem3A_687 = arith.remsi %select_n3A_678, %select_n3A_686 : i32
          %ne3A_688 = arith.constant 0 : i32
          %ne3A_689 = arith.cmpi ne, %rem3A_687, %ne3A_688 : i32
          %lt3A_690 = arith.constant 0 : i32
          %lt3A_691 = arith.cmpi slt, %rem3A_687, %lt3A_690 : i32
          %lt3A_692 = arith.constant 0 : i32
          %lt3A_693 = arith.cmpi slt, %select_n3A_686, %lt3A_692 : i32
          %ne3A_694 = arith.xori %lt3A_691, %lt3A_693 : i1
          %and3A_695 = arith.andi %ne3A_694, %ne3A_689 : i1
          %add3A_696 = arith.addi %rem3A_687, %select_n3A_686 : i32
          %select_n3A_697 = arith.select %and3A_695, %add3A_696, %rem3A_687 : i32
          "tpu.region"() ({
            %run_scoped3A_698 = tpu.sem_alloc : memref<!tpu.dma_semaphore, #tpu.memory_space<semaphore_mem>>
            %dma_start3A_699 = arith.constant 0 : i32
            %dma_start3A_700 = arith.constant 0 : i32
            %dma_start3A_701 = tpu.memref_slice %arg5[%select_n3A_697, %dma_start3A_699, %dma_start3A_700] : memref<2x8x128xi32, #tpu.memory_space<vmem>> -> memref<1x8x128xi32, #tpu.memory_space<vmem>>
            %dma_start3A_702 = tpu.memref_squeeze %dma_start3A_701 : memref<1x8x128xi32, #tpu.memory_space<vmem>> -> memref<8x128xi32, #tpu.memory_space<vmem>>
            %dma_start3A_703 = arith.constant 0 : i32
            %dma_start3A_704 = tpu.memref_slice %arg2[%add3A_681, %dma_start3A_703] : memref<6400x128xi32, #tpu.memory_space<hbm>> -> memref<8x128xi32, #tpu.memory_space<hbm>>
            %dma_start3A_705 = arith.constant 0 : i32
            %dma_start3A_706 = arith.constant 0 : i32
            %dma_start3A_707 = tpu.memref_slice %arg5[%select_n3A_697, %dma_start3A_705, %dma_start3A_706] : memref<2x8x128xi32, #tpu.memory_space<vmem>> -> memref<1x8x128xi32, #tpu.memory_space<vmem>>
            %dma_start3A_708 = tpu.memref_squeeze %dma_start3A_707 : memref<1x8x128xi32, #tpu.memory_space<vmem>> -> memref<8x128xi32, #tpu.memory_space<vmem>>
            %dma_start3A_709 = arith.constant 0 : i32
            %dma_start3A_710 = tpu.memref_slice %arg2[%add3A_681, %dma_start3A_709] : memref<6400x128xi32, #tpu.memory_space<hbm>> -> memref<8x128xi32, #tpu.memory_space<hbm>>
            tpu.enqueue_dma source(%dma_start3A_710 : memref<8x128xi32, #tpu.memory_space<hbm>>) target(%dma_start3A_708 : memref<8x128xi32, #tpu.memory_space<vmem>>) target_semaphore(%run_scoped3A_698 : memref<!tpu.dma_semaphore, #tpu.memory_space<semaphore_mem>>)
            %dma_wait3A_711 = arith.constant 0 : i32
            %dma_wait3A_712 = arith.constant 0 : i32
            %dma_wait3A_713 = tpu.memref_slice %arg5[%select_n3A_697, %dma_wait3A_711, %dma_wait3A_712] : memref<2x8x128xi32, #tpu.memory_space<vmem>> -> memref<1x8x128xi32, #tpu.memory_space<vmem>>
            %dma_wait3A_714 = tpu.memref_squeeze %dma_wait3A_713 : memref<1x8x128xi32, #tpu.memory_space<vmem>> -> memref<8x128xi32, #tpu.memory_space<vmem>>
            %dma_wait3A_715 = arith.constant 0 : i32
            %dma_wait3A_716 = tpu.memref_slice %arg2[%add3A_681, %dma_wait3A_715] : memref<6400x128xi32, #tpu.memory_space<hbm>> -> memref<8x128xi32, #tpu.memory_space<hbm>>
            %dma_wait3A_717 = arith.constant 0 : i32
            %dma_wait3A_718 = arith.constant 0 : i32
            %dma_wait3A_719 = tpu.memref_slice %arg5[%select_n3A_697, %dma_wait3A_717, %dma_wait3A_718] : memref<2x8x128xi32, #tpu.memory_space<vmem>> -> memref<1x8x128xi32, #tpu.memory_space<vmem>>
            %dma_wait3A_720 = tpu.memref_squeeze %dma_wait3A_719 : memref<1x8x128xi32, #tpu.memory_space<vmem>> -> memref<8x128xi32, #tpu.memory_space<vmem>>
            %dma_wait3A_721 = arith.constant 0 : i32
            %dma_wait3A_722 = tpu.memref_slice %arg2[%add3A_681, %dma_wait3A_721] : memref<6400x128xi32, #tpu.memory_space<hbm>> -> memref<8x128xi32, #tpu.memory_space<hbm>>
            tpu.wait_dma2 semaphore(%run_scoped3A_698 : memref<!tpu.dma_semaphore, #tpu.memory_space<semaphore_mem>>) src(%dma_wait3A_722 : memref<8x128xi32, #tpu.memory_space<hbm>>) dst(%dma_wait3A_720 : memref<8x128xi32, #tpu.memory_space<vmem>>)
            tpu.yield
          }) : () -> ()
        } else {
        }
        %jit3A_588 = arith.constant 8 : i32
        %div3A_589 = arith.divsi %add3A_180, %jit3A_588 : i32
        %sign3A_590 = arith.constant 0 : i32
        %sign3A_591 = arith.cmpi sgt, %add3A_180, %sign3A_590 : i32
        %sign3A_592 = arith.extui %sign3A_591 : i1 to i32
        %sign3A_593 = arith.constant 0 : i32
        %sign3A_594 = arith.cmpi slt, %add3A_180, %sign3A_593 : i32
        %sign3A_595 = arith.extui %sign3A_594 : i1 to i32
        %sign3A_596 = arith.subi %sign3A_592, %sign3A_595 : i32
        %sign3A_597 = arith.constant 0 : i32
        %sign3A_598 = arith.cmpi sgt, %jit3A_588, %sign3A_597 : i32
        %sign3A_599 = arith.extui %sign3A_598 : i1 to i32
        %sign3A_600 = arith.constant 0 : i32
        %sign3A_601 = arith.cmpi slt, %jit3A_588, %sign3A_600 : i32
        %sign3A_602 = arith.extui %sign3A_601 : i1 to i32
        %sign3A_603 = arith.subi %sign3A_599, %sign3A_602 : i32
        %ne3A_604 = arith.cmpi ne, %sign3A_596, %sign3A_603 : i32
        %rem3A_605 = arith.remsi %add3A_180, %jit3A_588 : i32
        %ne3A_606 = arith.constant 0 : i32
        %ne3A_607 = arith.cmpi ne, %rem3A_605, %ne3A_606 : i32
        %and3A_608 = arith.andi %ne3A_604, %ne3A_607 : i1
        %sub3A_609 = arith.constant 1 : i32
        %sub3A_610 = arith.subi %div3A_589, %sub3A_609 : i32
        %select_n3A_611 = arith.select %and3A_608, %sub3A_610, %div3A_589 : i32
        %jit3A_612 = arith.constant 2 : i32
        %eq3A_613 = arith.constant 0 : i32
        %eq3A_614 = arith.cmpi eq, %jit3A_612, %eq3A_613 : i32
        %jit3A_615 = arith.constant 1 : i32
        %select_n3A_616 = arith.select %eq3A_614, %jit3A_615, %jit3A_612 : i32
        %rem3A_617 = arith.remsi %select_n3A_611, %select_n3A_616 : i32
        %ne3A_618 = arith.constant 0 : i32
        %ne3A_619 = arith.cmpi ne, %rem3A_617, %ne3A_618 : i32
        %lt3A_620 = arith.constant 0 : i32
        %lt3A_621 = arith.cmpi slt, %rem3A_617, %lt3A_620 : i32
        %lt3A_622 = arith.constant 0 : i32
        %lt3A_623 = arith.cmpi slt, %select_n3A_616, %lt3A_622 : i32
        %ne3A_624 = arith.xori %lt3A_621, %lt3A_623 : i1
        %and3A_625 = arith.andi %ne3A_624, %ne3A_619 : i1
        %add3A_626 = arith.addi %rem3A_617, %select_n3A_616 : i32
        %select_n3A_627 = arith.select %and3A_625, %add3A_626, %rem3A_617 : i32
        %jit3A_628 = arith.constant 8 : i32
        %eq3A_629 = arith.constant 0 : i32
        %eq3A_630 = arith.cmpi eq, %jit3A_628, %eq3A_629 : i32
        %jit3A_631 = arith.constant 1 : i32
        %select_n3A_632 = arith.select %eq3A_630, %jit3A_631, %jit3A_628 : i32
        %rem3A_633 = arith.remsi %add3A_180, %select_n3A_632 : i32
        %ne3A_634 = arith.constant 0 : i32
        %ne3A_635 = arith.cmpi ne, %rem3A_633, %ne3A_634 : i32
        %lt3A_636 = arith.constant 0 : i32
        %lt3A_637 = arith.cmpi slt, %rem3A_633, %lt3A_636 : i32
        %lt3A_638 = arith.constant 0 : i32
        %lt3A_639 = arith.cmpi slt, %select_n3A_632, %lt3A_638 : i32
        %ne3A_640 = arith.xori %lt3A_637, %lt3A_639 : i1
        %and3A_641 = arith.andi %ne3A_640, %ne3A_635 : i1
        %add3A_642 = arith.addi %rem3A_633, %select_n3A_632 : i32
        %select_n3A_643 = arith.select %and3A_641, %add3A_642, %rem3A_633 : i32
        %dma_start3A_644 = arith.constant 3 : i32
        %dma_start3A_645 = arith.constant 0 : i32
        %dma_start3A_646 = arith.constant 0 : i32
        %dma_start3A_647 = tpu.memref_slice %arg6[%dma_start3A_644, %dma_start3A_645, %dma_start3A_646] : memref<5x128x128xf32, #tpu.memory_space<vmem>> -> memref<1x128x128xf32, #tpu.memory_space<vmem>>
        %dma_start3A_648 = tpu.memref_squeeze %dma_start3A_647 : memref<1x128x128xf32, #tpu.memory_space<vmem>> -> memref<128x128xf32, #tpu.memory_space<vmem>>
        %dma_start3A_649 = arith.constant 0 : i32
        %dma_start3A_650 = tpu.memref_slice %arg5[%select_n3A_627, %select_n3A_643, %dma_start3A_649] : memref<2x8x128xi32, #tpu.memory_space<vmem>> -> memref<1x1x128xi32, #tpu.memory_space<vmem>>
        %dma_start3A_651 = tpu.memref_squeeze %dma_start3A_650 : memref<1x1x128xi32, #tpu.memory_space<vmem>> -> memref<128xi32, #tpu.memory_space<vmem>>
        %dma_start3A_652 = arith.constant 0 : i32
        %dma_start3A_653 = arith.constant 0 : i32
        %dma_start3A_654 = tpu.memref_slice %arg3[%dma_start3A_652, %dma_start3A_653] : memref<1000000x128xf32, #tpu.memory_space<hbm>> -> memref<1000000x128xf32, #tpu.memory_space<hbm>>
        tpu.enqueue_indirect_dma source(%dma_start3A_654 : memref<1000000x128xf32, #tpu.memory_space<hbm>>) target(%dma_start3A_648 : memref<128x128xf32, #tpu.memory_space<vmem>>) offsets(%dma_start3A_651 : memref<128xi32, #tpu.memory_space<vmem>>) semaphore(%arg7 : memref<!tpu.dma_semaphore, #tpu.memory_space<semaphore_mem>>)
      } else {
      }
      %jit3A_186 = arith.constant 8 : i32
      %div3A_187 = arith.divsi %add3A_173, %jit3A_186 : i32
      %sign3A_188 = arith.constant 0 : i32
      %sign3A_189 = arith.cmpi sgt, %add3A_173, %sign3A_188 : i32
      %sign3A_190 = arith.extui %sign3A_189 : i1 to i32
      %sign3A_191 = arith.constant 0 : i32
      %sign3A_192 = arith.cmpi slt, %add3A_173, %sign3A_191 : i32
      %sign3A_193 = arith.extui %sign3A_192 : i1 to i32
      %sign3A_194 = arith.subi %sign3A_190, %sign3A_193 : i32
      %sign3A_195 = arith.constant 0 : i32
      %sign3A_196 = arith.cmpi sgt, %jit3A_186, %sign3A_195 : i32
      %sign3A_197 = arith.extui %sign3A_196 : i1 to i32
      %sign3A_198 = arith.constant 0 : i32
      %sign3A_199 = arith.cmpi slt, %jit3A_186, %sign3A_198 : i32
      %sign3A_200 = arith.extui %sign3A_199 : i1 to i32
      %sign3A_201 = arith.subi %sign3A_197, %sign3A_200 : i32
      %ne3A_202 = arith.cmpi ne, %sign3A_194, %sign3A_201 : i32
      %rem3A_203 = arith.remsi %add3A_173, %jit3A_186 : i32
      %ne3A_204 = arith.constant 0 : i32
      %ne3A_205 = arith.cmpi ne, %rem3A_203, %ne3A_204 : i32
      %and3A_206 = arith.andi %ne3A_202, %ne3A_205 : i1
      %sub3A_207 = arith.constant 1 : i32
      %sub3A_208 = arith.subi %div3A_187, %sub3A_207 : i32
      %select_n3A_209 = arith.select %and3A_206, %sub3A_208, %div3A_187 : i32
      %jit3A_210 = arith.constant 2 : i32
      %eq3A_211 = arith.constant 0 : i32
      %eq3A_212 = arith.cmpi eq, %jit3A_210, %eq3A_211 : i32
      %jit3A_213 = arith.constant 1 : i32
      %select_n3A_214 = arith.select %eq3A_212, %jit3A_213, %jit3A_210 : i32
      %rem3A_215 = arith.remsi %select_n3A_209, %select_n3A_214 : i32
      %ne3A_216 = arith.constant 0 : i32
      %ne3A_217 = arith.cmpi ne, %rem3A_215, %ne3A_216 : i32
      %lt3A_218 = arith.constant 0 : i32
      %lt3A_219 = arith.cmpi slt, %rem3A_215, %lt3A_218 : i32
      %lt3A_220 = arith.constant 0 : i32
      %lt3A_221 = arith.cmpi slt, %select_n3A_214, %lt3A_220 : i32
      %ne3A_222 = arith.xori %lt3A_219, %lt3A_221 : i1
      %and3A_223 = arith.andi %ne3A_222, %ne3A_217 : i1
      %add3A_224 = arith.addi %rem3A_215, %select_n3A_214 : i32
      %select_n3A_225 = arith.select %and3A_223, %add3A_224, %rem3A_215 : i32
      %jit3A_226 = arith.constant 8 : i32
      %eq3A_227 = arith.constant 0 : i32
      %eq3A_228 = arith.cmpi eq, %jit3A_226, %eq3A_227 : i32
      %jit3A_229 = arith.constant 1 : i32
      %select_n3A_230 = arith.select %eq3A_228, %jit3A_229, %jit3A_226 : i32
      %rem3A_231 = arith.remsi %add3A_173, %select_n3A_230 : i32
      %ne3A_232 = arith.constant 0 : i32
      %ne3A_233 = arith.cmpi ne, %rem3A_231, %ne3A_232 : i32
      %lt3A_234 = arith.constant 0 : i32
      %lt3A_235 = arith.cmpi slt, %rem3A_231, %lt3A_234 : i32
      %lt3A_236 = arith.constant 0 : i32
      %lt3A_237 = arith.cmpi slt, %select_n3A_230, %lt3A_236 : i32
      %ne3A_238 = arith.xori %lt3A_235, %lt3A_237 : i1
      %and3A_239 = arith.andi %ne3A_238, %ne3A_233 : i1
      %add3A_240 = arith.addi %rem3A_231, %select_n3A_230 : i32
      %select_n3A_241 = arith.select %and3A_239, %add3A_240, %rem3A_231 : i32
      %dma_wait3A_242 = arith.constant 1 : i32
      %dma_wait3A_243 = arith.constant 0 : i32
      %dma_wait3A_244 = arith.constant 0 : i32
      %dma_wait3A_245 = tpu.memref_slice %arg6[%dma_wait3A_242, %dma_wait3A_243, %dma_wait3A_244] : memref<5x128x128xf32, #tpu.memory_space<vmem>> -> memref<1x128x128xf32, #tpu.memory_space<vmem>>
      %dma_wait3A_246 = tpu.memref_squeeze %dma_wait3A_245 : memref<1x128x128xf32, #tpu.memory_space<vmem>> -> memref<128x128xf32, #tpu.memory_space<vmem>>
      %dma_wait3A_247 = arith.constant 0 : i32
      %dma_wait3A_248 = tpu.memref_slice %arg5[%select_n3A_225, %select_n3A_241, %dma_wait3A_247] : memref<2x8x128xi32, #tpu.memory_space<vmem>> -> memref<1x1x128xi32, #tpu.memory_space<vmem>>
      %dma_wait3A_249 = tpu.memref_squeeze %dma_wait3A_248 : memref<1x1x128xi32, #tpu.memory_space<vmem>> -> memref<128xi32, #tpu.memory_space<vmem>>
      %dma_wait3A_250 = arith.constant 0 : i32
      %dma_wait3A_251 = arith.constant 0 : i32
      %dma_wait3A_252 = tpu.memref_slice %arg3[%dma_wait3A_250, %dma_wait3A_251] : memref<1000000x128xf32, #tpu.memory_space<hbm>> -> memref<1000000x128xf32, #tpu.memory_space<hbm>>
      tpu.wait_indirect_dma semaphore(%arg7 : memref<!tpu.dma_semaphore, #tpu.memory_space<semaphore_mem>>) src(%dma_wait3A_252 : memref<1000000x128xf32, #tpu.memory_space<hbm>>) dst(%dma_wait3A_246 : memref<128x128xf32, #tpu.memory_space<vmem>>)
      %mul3A_253 = arith.constant 128 : i32
      %mul3A_254 = arith.muli %add3A_173, %mul3A_253 : i32
      %add3A_255 = arith.addi %mul3A_4, %mul3A_254 : i32
      %dma_start3A_256 = arith.constant 1 : i32
      %dma_start3A_257 = arith.constant 0 : i32
      %dma_start3A_258 = arith.constant 0 : i32
      %dma_start3A_259 = tpu.memref_slice %arg6[%dma_start3A_256, %dma_start3A_257, %dma_start3A_258] : memref<5x128x128xf32, #tpu.memory_space<vmem>> -> memref<1x128x128xf32, #tpu.memory_space<vmem>>
      %dma_start3A_260 = tpu.memref_squeeze %dma_start3A_259 : memref<1x128x128xf32, #tpu.memory_space<vmem>> -> memref<128x128xf32, #tpu.memory_space<vmem>>
      %dma_start3A_261 = arith.constant 0 : i32
      %dma_start3A_262 = tpu.memref_slice %arg4[%add3A_255, %dma_start3A_261] : memref<819200x128xf32, #tpu.memory_space<hbm>> -> memref<128x128xf32, #tpu.memory_space<hbm>>
      %dma_start3A_263 = arith.constant 0 : i32
      %dma_start3A_264 = tpu.memref_slice %arg4[%add3A_255, %dma_start3A_263] : memref<819200x128xf32, #tpu.memory_space<hbm>> -> memref<128x128xf32, #tpu.memory_space<hbm>>
      %dma_start3A_265 = arith.constant 0 : i32
      %dma_start3A_266 = arith.constant 0 : i32
      %dma_start3A_267 = tpu.memref_slice %arg6[%dma_start3A_256, %dma_start3A_265, %dma_start3A_266] : memref<5x128x128xf32, #tpu.memory_space<vmem>> -> memref<1x128x128xf32, #tpu.memory_space<vmem>>
      %dma_start3A_268 = tpu.memref_squeeze %dma_start3A_267 : memref<1x128x128xf32, #tpu.memory_space<vmem>> -> memref<128x128xf32, #tpu.memory_space<vmem>>
      tpu.enqueue_dma source(%dma_start3A_268 : memref<128x128xf32, #tpu.memory_space<vmem>>) target(%dma_start3A_264 : memref<128x128xf32, #tpu.memory_space<hbm>>) target_semaphore(%arg8 : memref<!tpu.dma_semaphore, #tpu.memory_space<semaphore_mem>>)
      %mul3A_269 = arith.constant 5 : i32
      %mul3A_270 = arith.muli %scan3A_82, %mul3A_269 : i32
      %add3A_271 = arith.constant 2 : i32
      %add3A_272 = arith.addi %mul3A_270, %add3A_271 : i32
      %ge3A_273 = arith.constant 3 : i32
      %ge3A_274 = arith.cmpi sge, %add3A_272, %ge3A_273 : i32
      %convert_element_type3A_275 = arith.extui %ge3A_274 : i1 to i32
      %cond3A_276 = arith.constant 0 : i32
      %cond3A_277 = arith.cmpi ne, %convert_element_type3A_275, %cond3A_276 : i32
      scf.if %cond3A_277 {
        %sub3A_567 = arith.constant 3 : i32
        %sub3A_568 = arith.subi %add3A_272, %sub3A_567 : i32
        %mul3A_569 = arith.constant 128 : i32
        %mul3A_570 = arith.muli %sub3A_568, %mul3A_569 : i32
        %add3A_571 = arith.addi %mul3A_4, %mul3A_570 : i32
        %dma_wait3A_572 = arith.constant 4 : i32
        %dma_wait3A_573 = arith.constant 0 : i32
        %dma_wait3A_574 = arith.constant 0 : i32
        %dma_wait3A_575 = tpu.memref_slice %arg6[%dma_wait3A_572, %dma_wait3A_573, %dma_wait3A_574] : memref<5x128x128xf32, #tpu.memory_space<vmem>> -> memref<1x128x128xf32, #tpu.memory_space<vmem>>
        %dma_wait3A_576 = tpu.memref_squeeze %dma_wait3A_575 : memref<1x128x128xf32, #tpu.memory_space<vmem>> -> memref<128x128xf32, #tpu.memory_space<vmem>>
        %dma_wait3A_577 = arith.constant 0 : i32
        %dma_wait3A_578 = tpu.memref_slice %arg4[%add3A_571, %dma_wait3A_577] : memref<819200x128xf32, #tpu.memory_space<hbm>> -> memref<128x128xf32, #tpu.memory_space<hbm>>
        %dma_wait3A_579 = arith.constant 0 : i32
        %dma_wait3A_580 = tpu.memref_slice %arg4[%add3A_571, %dma_wait3A_579] : memref<819200x128xf32, #tpu.memory_space<hbm>> -> memref<128x128xf32, #tpu.memory_space<hbm>>
        %dma_wait3A_581 = arith.constant 0 : i32
        %dma_wait3A_582 = arith.constant 0 : i32
        %dma_wait3A_583 = tpu.memref_slice %arg6[%dma_wait3A_572, %dma_wait3A_581, %dma_wait3A_582] : memref<5x128x128xf32, #tpu.memory_space<vmem>> -> memref<1x128x128xf32, #tpu.memory_space<vmem>>
        %dma_wait3A_584 = tpu.memref_squeeze %dma_wait3A_583 : memref<1x128x128xf32, #tpu.memory_space<vmem>> -> memref<128x128xf32, #tpu.memory_space<vmem>>
        tpu.wait_dma2 semaphore(%arg8 : memref<!tpu.dma_semaphore, #tpu.memory_space<semaphore_mem>>) src(%dma_wait3A_584 : memref<128x128xf32, #tpu.memory_space<vmem>>) dst(%dma_wait3A_580 : memref<128x128xf32, #tpu.memory_space<hbm>>)
      } else {
      }
      %add3A_278 = arith.constant 2 : i32
      %add3A_279 = arith.addi %add3A_272, %add3A_278 : i32
      %lt3A_280 = arith.constant 200 : i32
      %lt3A_281 = arith.cmpi slt, %add3A_279, %lt3A_280 : i32
      %convert_element_type3A_282 = arith.extui %lt3A_281 : i1 to i32
      %cond3A_283 = arith.constant 0 : i32
      %cond3A_284 = arith.cmpi ne, %convert_element_type3A_282, %cond3A_283 : i32
      scf.if %cond3A_284 {
        %jit3A_567 = arith.constant 8 : i32
        %eq3A_568 = arith.constant 0 : i32
        %eq3A_569 = arith.cmpi eq, %jit3A_567, %eq3A_568 : i32
        %jit3A_570 = arith.constant 1 : i32
        %select_n3A_571 = arith.select %eq3A_569, %jit3A_570, %jit3A_567 : i32
        %rem3A_572 = arith.remsi %add3A_279, %select_n3A_571 : i32
        %ne3A_573 = arith.constant 0 : i32
        %ne3A_574 = arith.cmpi ne, %rem3A_572, %ne3A_573 : i32
        %lt3A_575 = arith.constant 0 : i32
        %lt3A_576 = arith.cmpi slt, %rem3A_572, %lt3A_575 : i32
        %lt3A_577 = arith.constant 0 : i32
        %lt3A_578 = arith.cmpi slt, %select_n3A_571, %lt3A_577 : i32
        %ne3A_579 = arith.xori %lt3A_576, %lt3A_578 : i1
        %and3A_580 = arith.andi %ne3A_579, %ne3A_574 : i1
        %add3A_581 = arith.addi %rem3A_572, %select_n3A_571 : i32
        %select_n3A_582 = arith.select %and3A_580, %add3A_581, %rem3A_572 : i32
        %eq3A_583 = arith.constant 0 : i32
        %eq3A_584 = arith.cmpi eq, %select_n3A_582, %eq3A_583 : i32
        %convert_element_type3A_585 = arith.extui %eq3A_584 : i1 to i32
        %cond3A_586 = arith.constant 0 : i32
        %cond3A_587 = arith.cmpi ne, %convert_element_type3A_585, %cond3A_586 : i32
        scf.if %cond3A_587 {
          %jit3A_655 = arith.constant 8 : i32
          %div3A_656 = arith.divsi %add3A_279, %jit3A_655 : i32
          %sign3A_657 = arith.constant 0 : i32
          %sign3A_658 = arith.cmpi sgt, %add3A_279, %sign3A_657 : i32
          %sign3A_659 = arith.extui %sign3A_658 : i1 to i32
          %sign3A_660 = arith.constant 0 : i32
          %sign3A_661 = arith.cmpi slt, %add3A_279, %sign3A_660 : i32
          %sign3A_662 = arith.extui %sign3A_661 : i1 to i32
          %sign3A_663 = arith.subi %sign3A_659, %sign3A_662 : i32
          %sign3A_664 = arith.constant 0 : i32
          %sign3A_665 = arith.cmpi sgt, %jit3A_655, %sign3A_664 : i32
          %sign3A_666 = arith.extui %sign3A_665 : i1 to i32
          %sign3A_667 = arith.constant 0 : i32
          %sign3A_668 = arith.cmpi slt, %jit3A_655, %sign3A_667 : i32
          %sign3A_669 = arith.extui %sign3A_668 : i1 to i32
          %sign3A_670 = arith.subi %sign3A_666, %sign3A_669 : i32
          %ne3A_671 = arith.cmpi ne, %sign3A_663, %sign3A_670 : i32
          %rem3A_672 = arith.remsi %add3A_279, %jit3A_655 : i32
          %ne3A_673 = arith.constant 0 : i32
          %ne3A_674 = arith.cmpi ne, %rem3A_672, %ne3A_673 : i32
          %and3A_675 = arith.andi %ne3A_671, %ne3A_674 : i1
          %sub3A_676 = arith.constant 1 : i32
          %sub3A_677 = arith.subi %div3A_656, %sub3A_676 : i32
          %select_n3A_678 = arith.select %and3A_675, %sub3A_677, %div3A_656 : i32
          %mul3A_679 = arith.constant 8 : i32
          %mul3A_680 = arith.muli %select_n3A_678, %mul3A_679 : i32
          %add3A_681 = arith.addi %mul3A_2, %mul3A_680 : i32
          %jit3A_682 = arith.constant 2 : i32
          %eq3A_683 = arith.constant 0 : i32
          %eq3A_684 = arith.cmpi eq, %jit3A_682, %eq3A_683 : i32
          %jit3A_685 = arith.constant 1 : i32
          %select_n3A_686 = arith.select %eq3A_684, %jit3A_685, %jit3A_682 : i32
          %rem3A_687 = arith.remsi %select_n3A_678, %select_n3A_686 : i32
          %ne3A_688 = arith.constant 0 : i32
          %ne3A_689 = arith.cmpi ne, %rem3A_687, %ne3A_688 : i32
          %lt3A_690 = arith.constant 0 : i32
          %lt3A_691 = arith.cmpi slt, %rem3A_687, %lt3A_690 : i32
          %lt3A_692 = arith.constant 0 : i32
          %lt3A_693 = arith.cmpi slt, %select_n3A_686, %lt3A_692 : i32
          %ne3A_694 = arith.xori %lt3A_691, %lt3A_693 : i1
          %and3A_695 = arith.andi %ne3A_694, %ne3A_689 : i1
          %add3A_696 = arith.addi %rem3A_687, %select_n3A_686 : i32
          %select_n3A_697 = arith.select %and3A_695, %add3A_696, %rem3A_687 : i32
          "tpu.region"() ({
            %run_scoped3A_698 = tpu.sem_alloc : memref<!tpu.dma_semaphore, #tpu.memory_space<semaphore_mem>>
            %dma_start3A_699 = arith.constant 0 : i32
            %dma_start3A_700 = arith.constant 0 : i32
            %dma_start3A_701 = tpu.memref_slice %arg5[%select_n3A_697, %dma_start3A_699, %dma_start3A_700] : memref<2x8x128xi32, #tpu.memory_space<vmem>> -> memref<1x8x128xi32, #tpu.memory_space<vmem>>
            %dma_start3A_702 = tpu.memref_squeeze %dma_start3A_701 : memref<1x8x128xi32, #tpu.memory_space<vmem>> -> memref<8x128xi32, #tpu.memory_space<vmem>>
            %dma_start3A_703 = arith.constant 0 : i32
            %dma_start3A_704 = tpu.memref_slice %arg2[%add3A_681, %dma_start3A_703] : memref<6400x128xi32, #tpu.memory_space<hbm>> -> memref<8x128xi32, #tpu.memory_space<hbm>>
            %dma_start3A_705 = arith.constant 0 : i32
            %dma_start3A_706 = arith.constant 0 : i32
            %dma_start3A_707 = tpu.memref_slice %arg5[%select_n3A_697, %dma_start3A_705, %dma_start3A_706] : memref<2x8x128xi32, #tpu.memory_space<vmem>> -> memref<1x8x128xi32, #tpu.memory_space<vmem>>
            %dma_start3A_708 = tpu.memref_squeeze %dma_start3A_707 : memref<1x8x128xi32, #tpu.memory_space<vmem>> -> memref<8x128xi32, #tpu.memory_space<vmem>>
            %dma_start3A_709 = arith.constant 0 : i32
            %dma_start3A_710 = tpu.memref_slice %arg2[%add3A_681, %dma_start3A_709] : memref<6400x128xi32, #tpu.memory_space<hbm>> -> memref<8x128xi32, #tpu.memory_space<hbm>>
            tpu.enqueue_dma source(%dma_start3A_710 : memref<8x128xi32, #tpu.memory_space<hbm>>) target(%dma_start3A_708 : memref<8x128xi32, #tpu.memory_space<vmem>>) target_semaphore(%run_scoped3A_698 : memref<!tpu.dma_semaphore, #tpu.memory_space<semaphore_mem>>)
            %dma_wait3A_711 = arith.constant 0 : i32
            %dma_wait3A_712 = arith.constant 0 : i32
            %dma_wait3A_713 = tpu.memref_slice %arg5[%select_n3A_697, %dma_wait3A_711, %dma_wait3A_712] : memref<2x8x128xi32, #tpu.memory_space<vmem>> -> memref<1x8x128xi32, #tpu.memory_space<vmem>>
            %dma_wait3A_714 = tpu.memref_squeeze %dma_wait3A_713 : memref<1x8x128xi32, #tpu.memory_space<vmem>> -> memref<8x128xi32, #tpu.memory_space<vmem>>
            %dma_wait3A_715 = arith.constant 0 : i32
            %dma_wait3A_716 = tpu.memref_slice %arg2[%add3A_681, %dma_wait3A_715] : memref<6400x128xi32, #tpu.memory_space<hbm>> -> memref<8x128xi32, #tpu.memory_space<hbm>>
            %dma_wait3A_717 = arith.constant 0 : i32
            %dma_wait3A_718 = arith.constant 0 : i32
            %dma_wait3A_719 = tpu.memref_slice %arg5[%select_n3A_697, %dma_wait3A_717, %dma_wait3A_718] : memref<2x8x128xi32, #tpu.memory_space<vmem>> -> memref<1x8x128xi32, #tpu.memory_space<vmem>>
            %dma_wait3A_720 = tpu.memref_squeeze %dma_wait3A_719 : memref<1x8x128xi32, #tpu.memory_space<vmem>> -> memref<8x128xi32, #tpu.memory_space<vmem>>
            %dma_wait3A_721 = arith.constant 0 : i32
            %dma_wait3A_722 = tpu.memref_slice %arg2[%add3A_681, %dma_wait3A_721] : memref<6400x128xi32, #tpu.memory_space<hbm>> -> memref<8x128xi32, #tpu.memory_space<hbm>>
            tpu.wait_dma2 semaphore(%run_scoped3A_698 : memref<!tpu.dma_semaphore, #tpu.memory_space<semaphore_mem>>) src(%dma_wait3A_722 : memref<8x128xi32, #tpu.memory_space<hbm>>) dst(%dma_wait3A_720 : memref<8x128xi32, #tpu.memory_space<vmem>>)
            tpu.yield
          }) : () -> ()
        } else {
        }
        %jit3A_588 = arith.constant 8 : i32
        %div3A_589 = arith.divsi %add3A_279, %jit3A_588 : i32
        %sign3A_590 = arith.constant 0 : i32
        %sign3A_591 = arith.cmpi sgt, %add3A_279, %sign3A_590 : i32
        %sign3A_592 = arith.extui %sign3A_591 : i1 to i32
        %sign3A_593 = arith.constant 0 : i32
        %sign3A_594 = arith.cmpi slt, %add3A_279, %sign3A_593 : i32
        %sign3A_595 = arith.extui %sign3A_594 : i1 to i32
        %sign3A_596 = arith.subi %sign3A_592, %sign3A_595 : i32
        %sign3A_597 = arith.constant 0 : i32
        %sign3A_598 = arith.cmpi sgt, %jit3A_588, %sign3A_597 : i32
        %sign3A_599 = arith.extui %sign3A_598 : i1 to i32
        %sign3A_600 = arith.constant 0 : i32
        %sign3A_601 = arith.cmpi slt, %jit3A_588, %sign3A_600 : i32
        %sign3A_602 = arith.extui %sign3A_601 : i1 to i32
        %sign3A_603 = arith.subi %sign3A_599, %sign3A_602 : i32
        %ne3A_604 = arith.cmpi ne, %sign3A_596, %sign3A_603 : i32
        %rem3A_605 = arith.remsi %add3A_279, %jit3A_588 : i32
        %ne3A_606 = arith.constant 0 : i32
        %ne3A_607 = arith.cmpi ne, %rem3A_605, %ne3A_606 : i32
        %and3A_608 = arith.andi %ne3A_604, %ne3A_607 : i1
        %sub3A_609 = arith.constant 1 : i32
        %sub3A_610 = arith.subi %div3A_589, %sub3A_609 : i32
        %select_n3A_611 = arith.select %and3A_608, %sub3A_610, %div3A_589 : i32
        %jit3A_612 = arith.constant 2 : i32
        %eq3A_613 = arith.constant 0 : i32
        %eq3A_614 = arith.cmpi eq, %jit3A_612, %eq3A_613 : i32
        %jit3A_615 = arith.constant 1 : i32
        %select_n3A_616 = arith.select %eq3A_614, %jit3A_615, %jit3A_612 : i32
        %rem3A_617 = arith.remsi %select_n3A_611, %select_n3A_616 : i32
        %ne3A_618 = arith.constant 0 : i32
        %ne3A_619 = arith.cmpi ne, %rem3A_617, %ne3A_618 : i32
        %lt3A_620 = arith.constant 0 : i32
        %lt3A_621 = arith.cmpi slt, %rem3A_617, %lt3A_620 : i32
        %lt3A_622 = arith.constant 0 : i32
        %lt3A_623 = arith.cmpi slt, %select_n3A_616, %lt3A_622 : i32
        %ne3A_624 = arith.xori %lt3A_621, %lt3A_623 : i1
        %and3A_625 = arith.andi %ne3A_624, %ne3A_619 : i1
        %add3A_626 = arith.addi %rem3A_617, %select_n3A_616 : i32
        %select_n3A_627 = arith.select %and3A_625, %add3A_626, %rem3A_617 : i32
        %jit3A_628 = arith.constant 8 : i32
        %eq3A_629 = arith.constant 0 : i32
        %eq3A_630 = arith.cmpi eq, %jit3A_628, %eq3A_629 : i32
        %jit3A_631 = arith.constant 1 : i32
        %select_n3A_632 = arith.select %eq3A_630, %jit3A_631, %jit3A_628 : i32
        %rem3A_633 = arith.remsi %add3A_279, %select_n3A_632 : i32
        %ne3A_634 = arith.constant 0 : i32
        %ne3A_635 = arith.cmpi ne, %rem3A_633, %ne3A_634 : i32
        %lt3A_636 = arith.constant 0 : i32
        %lt3A_637 = arith.cmpi slt, %rem3A_633, %lt3A_636 : i32
        %lt3A_638 = arith.constant 0 : i32
        %lt3A_639 = arith.cmpi slt, %select_n3A_632, %lt3A_638 : i32
        %ne3A_640 = arith.xori %lt3A_637, %lt3A_639 : i1
        %and3A_641 = arith.andi %ne3A_640, %ne3A_635 : i1
        %add3A_642 = arith.addi %rem3A_633, %select_n3A_632 : i32
        %select_n3A_643 = arith.select %and3A_641, %add3A_642, %rem3A_633 : i32
        %dma_start3A_644 = arith.constant 4 : i32
        %dma_start3A_645 = arith.constant 0 : i32
        %dma_start3A_646 = arith.constant 0 : i32
        %dma_start3A_647 = tpu.memref_slice %arg6[%dma_start3A_644, %dma_start3A_645, %dma_start3A_646] : memref<5x128x128xf32, #tpu.memory_space<vmem>> -> memref<1x128x128xf32, #tpu.memory_space<vmem>>
        %dma_start3A_648 = tpu.memref_squeeze %dma_start3A_647 : memref<1x128x128xf32, #tpu.memory_space<vmem>> -> memref<128x128xf32, #tpu.memory_space<vmem>>
        %dma_start3A_649 = arith.constant 0 : i32
        %dma_start3A_650 = tpu.memref_slice %arg5[%select_n3A_627, %select_n3A_643, %dma_start3A_649] : memref<2x8x128xi32, #tpu.memory_space<vmem>> -> memref<1x1x128xi32, #tpu.memory_space<vmem>>
        %dma_start3A_651 = tpu.memref_squeeze %dma_start3A_650 : memref<1x1x128xi32, #tpu.memory_space<vmem>> -> memref<128xi32, #tpu.memory_space<vmem>>
        %dma_start3A_652 = arith.constant 0 : i32
        %dma_start3A_653 = arith.constant 0 : i32
        %dma_start3A_654 = tpu.memref_slice %arg3[%dma_start3A_652, %dma_start3A_653] : memref<1000000x128xf32, #tpu.memory_space<hbm>> -> memref<1000000x128xf32, #tpu.memory_space<hbm>>
        tpu.enqueue_indirect_dma source(%dma_start3A_654 : memref<1000000x128xf32, #tpu.memory_space<hbm>>) target(%dma_start3A_648 : memref<128x128xf32, #tpu.memory_space<vmem>>) offsets(%dma_start3A_651 : memref<128xi32, #tpu.memory_space<vmem>>) semaphore(%arg7 : memref<!tpu.dma_semaphore, #tpu.memory_space<semaphore_mem>>)
      } else {
      }
      %jit3A_285 = arith.constant 8 : i32
      %div3A_286 = arith.divsi %add3A_272, %jit3A_285 : i32
      %sign3A_287 = arith.constant 0 : i32
      %sign3A_288 = arith.cmpi sgt, %add3A_272, %sign3A_287 : i32
      %sign3A_289 = arith.extui %sign3A_288 : i1 to i32
      %sign3A_290 = arith.constant 0 : i32
      %sign3A_291 = arith.cmpi slt, %add3A_272, %sign3A_290 : i32
      %sign3A_292 = arith.extui %sign3A_291 : i1 to i32
      %sign3A_293 = arith.subi %sign3A_289, %sign3A_292 : i32
      %sign3A_294 = arith.constant 0 : i32
      %sign3A_295 = arith.cmpi sgt, %jit3A_285, %sign3A_294 : i32
      %sign3A_296 = arith.extui %sign3A_295 : i1 to i32
      %sign3A_297 = arith.constant 0 : i32
      %sign3A_298 = arith.cmpi slt, %jit3A_285, %sign3A_297 : i32
      %sign3A_299 = arith.extui %sign3A_298 : i1 to i32
      %sign3A_300 = arith.subi %sign3A_296, %sign3A_299 : i32
      %ne3A_301 = arith.cmpi ne, %sign3A_293, %sign3A_300 : i32
      %rem3A_302 = arith.remsi %add3A_272, %jit3A_285 : i32
      %ne3A_303 = arith.constant 0 : i32
      %ne3A_304 = arith.cmpi ne, %rem3A_302, %ne3A_303 : i32
      %and3A_305 = arith.andi %ne3A_301, %ne3A_304 : i1
      %sub3A_306 = arith.constant 1 : i32
      %sub3A_307 = arith.subi %div3A_286, %sub3A_306 : i32
      %select_n3A_308 = arith.select %and3A_305, %sub3A_307, %div3A_286 : i32
      %jit3A_309 = arith.constant 2 : i32
      %eq3A_310 = arith.constant 0 : i32
      %eq3A_311 = arith.cmpi eq, %jit3A_309, %eq3A_310 : i32
      %jit3A_312 = arith.constant 1 : i32
      %select_n3A_313 = arith.select %eq3A_311, %jit3A_312, %jit3A_309 : i32
      %rem3A_314 = arith.remsi %select_n3A_308, %select_n3A_313 : i32
      %ne3A_315 = arith.constant 0 : i32
      %ne3A_316 = arith.cmpi ne, %rem3A_314, %ne3A_315 : i32
      %lt3A_317 = arith.constant 0 : i32
      %lt3A_318 = arith.cmpi slt, %rem3A_314, %lt3A_317 : i32
      %lt3A_319 = arith.constant 0 : i32
      %lt3A_320 = arith.cmpi slt, %select_n3A_313, %lt3A_319 : i32
      %ne3A_321 = arith.xori %lt3A_318, %lt3A_320 : i1
      %and3A_322 = arith.andi %ne3A_321, %ne3A_316 : i1
      %add3A_323 = arith.addi %rem3A_314, %select_n3A_313 : i32
      %select_n3A_324 = arith.select %and3A_322, %add3A_323, %rem3A_314 : i32
      %jit3A_325 = arith.constant 8 : i32
      %eq3A_326 = arith.constant 0 : i32
      %eq3A_327 = arith.cmpi eq, %jit3A_325, %eq3A_326 : i32
      %jit3A_328 = arith.constant 1 : i32
      %select_n3A_329 = arith.select %eq3A_327, %jit3A_328, %jit3A_325 : i32
      %rem3A_330 = arith.remsi %add3A_272, %select_n3A_329 : i32
      %ne3A_331 = arith.constant 0 : i32
      %ne3A_332 = arith.cmpi ne, %rem3A_330, %ne3A_331 : i32
      %lt3A_333 = arith.constant 0 : i32
      %lt3A_334 = arith.cmpi slt, %rem3A_330, %lt3A_333 : i32
      %lt3A_335 = arith.constant 0 : i32
      %lt3A_336 = arith.cmpi slt, %select_n3A_329, %lt3A_335 : i32
      %ne3A_337 = arith.xori %lt3A_334, %lt3A_336 : i1
      %and3A_338 = arith.andi %ne3A_337, %ne3A_332 : i1
      %add3A_339 = arith.addi %rem3A_330, %select_n3A_329 : i32
      %select_n3A_340 = arith.select %and3A_338, %add3A_339, %rem3A_330 : i32
      %dma_wait3A_341 = arith.constant 2 : i32
      %dma_wait3A_342 = arith.constant 0 : i32
      %dma_wait3A_343 = arith.constant 0 : i32
      %dma_wait3A_344 = tpu.memref_slice %arg6[%dma_wait3A_341, %dma_wait3A_342, %dma_wait3A_343] : memref<5x128x128xf32, #tpu.memory_space<vmem>> -> memref<1x128x128xf32, #tpu.memory_space<vmem>>
      %dma_wait3A_345 = tpu.memref_squeeze %dma_wait3A_344 : memref<1x128x128xf32, #tpu.memory_space<vmem>> -> memref<128x128xf32, #tpu.memory_space<vmem>>
      %dma_wait3A_346 = arith.constant 0 : i32
      %dma_wait3A_347 = tpu.memref_slice %arg5[%select_n3A_324, %select_n3A_340, %dma_wait3A_346] : memref<2x8x128xi32, #tpu.memory_space<vmem>> -> memref<1x1x128xi32, #tpu.memory_space<vmem>>
      %dma_wait3A_348 = tpu.memref_squeeze %dma_wait3A_347 : memref<1x1x128xi32, #tpu.memory_space<vmem>> -> memref<128xi32, #tpu.memory_space<vmem>>
      %dma_wait3A_349 = arith.constant 0 : i32
      %dma_wait3A_350 = arith.constant 0 : i32
      %dma_wait3A_351 = tpu.memref_slice %arg3[%dma_wait3A_349, %dma_wait3A_350] : memref<1000000x128xf32, #tpu.memory_space<hbm>> -> memref<1000000x128xf32, #tpu.memory_space<hbm>>
      tpu.wait_indirect_dma semaphore(%arg7 : memref<!tpu.dma_semaphore, #tpu.memory_space<semaphore_mem>>) src(%dma_wait3A_351 : memref<1000000x128xf32, #tpu.memory_space<hbm>>) dst(%dma_wait3A_345 : memref<128x128xf32, #tpu.memory_space<vmem>>)
      %mul3A_352 = arith.constant 128 : i32
      %mul3A_353 = arith.muli %add3A_272, %mul3A_352 : i32
      %add3A_354 = arith.addi %mul3A_4, %mul3A_353 : i32
      %dma_start3A_355 = arith.constant 2 : i32
      %dma_start3A_356 = arith.constant 0 : i32
      %dma_start3A_357 = arith.constant 0 : i32
      %dma_start3A_358 = tpu.memref_slice %arg6[%dma_start3A_355, %dma_start3A_356, %dma_start3A_357] : memref<5x128x128xf32, #tpu.memory_space<vmem>> -> memref<1x128x128xf32, #tpu.memory_space<vmem>>
      %dma_start3A_359 = tpu.memref_squeeze %dma_start3A_358 : memref<1x128x128xf32, #tpu.memory_space<vmem>> -> memref<128x128xf32, #tpu.memory_space<vmem>>
      %dma_start3A_360 = arith.constant 0 : i32
      %dma_start3A_361 = tpu.memref_slice %arg4[%add3A_354, %dma_start3A_360] : memref<819200x128xf32, #tpu.memory_space<hbm>> -> memref<128x128xf32, #tpu.memory_space<hbm>>
      %dma_start3A_362 = arith.constant 0 : i32
      %dma_start3A_363 = tpu.memref_slice %arg4[%add3A_354, %dma_start3A_362] : memref<819200x128xf32, #tpu.memory_space<hbm>> -> memref<128x128xf32, #tpu.memory_space<hbm>>
      %dma_start3A_364 = arith.constant 0 : i32
      %dma_start3A_365 = arith.constant 0 : i32
      %dma_start3A_366 = tpu.memref_slice %arg6[%dma_start3A_355, %dma_start3A_364, %dma_start3A_365] : memref<5x128x128xf32, #tpu.memory_space<vmem>> -> memref<1x128x128xf32, #tpu.memory_space<vmem>>
      %dma_start3A_367 = tpu.memref_squeeze %dma_start3A_366 : memref<1x128x128xf32, #tpu.memory_space<vmem>> -> memref<128x128xf32, #tpu.memory_space<vmem>>
      tpu.enqueue_dma source(%dma_start3A_367 : memref<128x128xf32, #tpu.memory_space<vmem>>) target(%dma_start3A_363 : memref<128x128xf32, #tpu.memory_space<hbm>>) target_semaphore(%arg8 : memref<!tpu.dma_semaphore, #tpu.memory_space<semaphore_mem>>)
      %mul3A_368 = arith.constant 5 : i32
      %mul3A_369 = arith.muli %scan3A_82, %mul3A_368 : i32
      %add3A_370 = arith.constant 3 : i32
      %add3A_371 = arith.addi %mul3A_369, %add3A_370 : i32
      %ge3A_372 = arith.constant 3 : i32
      %ge3A_373 = arith.cmpi sge, %add3A_371, %ge3A_372 : i32
      %convert_element_type3A_374 = arith.extui %ge3A_373 : i1 to i32
      %cond3A_375 = arith.constant 0 : i32
      %cond3A_376 = arith.cmpi ne, %convert_element_type3A_374, %cond3A_375 : i32
      scf.if %cond3A_376 {
        %sub3A_567 = arith.constant 3 : i32
        %sub3A_568 = arith.subi %add3A_371, %sub3A_567 : i32
        %mul3A_569 = arith.constant 128 : i32
        %mul3A_570 = arith.muli %sub3A_568, %mul3A_569 : i32
        %add3A_571 = arith.addi %mul3A_4, %mul3A_570 : i32
        %dma_wait3A_572 = arith.constant 0 : i32
        %dma_wait3A_573 = arith.constant 0 : i32
        %dma_wait3A_574 = arith.constant 0 : i32
        %dma_wait3A_575 = tpu.memref_slice %arg6[%dma_wait3A_572, %dma_wait3A_573, %dma_wait3A_574] : memref<5x128x128xf32, #tpu.memory_space<vmem>> -> memref<1x128x128xf32, #tpu.memory_space<vmem>>
        %dma_wait3A_576 = tpu.memref_squeeze %dma_wait3A_575 : memref<1x128x128xf32, #tpu.memory_space<vmem>> -> memref<128x128xf32, #tpu.memory_space<vmem>>
        %dma_wait3A_577 = arith.constant 0 : i32
        %dma_wait3A_578 = tpu.memref_slice %arg4[%add3A_571, %dma_wait3A_577] : memref<819200x128xf32, #tpu.memory_space<hbm>> -> memref<128x128xf32, #tpu.memory_space<hbm>>
        %dma_wait3A_579 = arith.constant 0 : i32
        %dma_wait3A_580 = tpu.memref_slice %arg4[%add3A_571, %dma_wait3A_579] : memref<819200x128xf32, #tpu.memory_space<hbm>> -> memref<128x128xf32, #tpu.memory_space<hbm>>
        %dma_wait3A_581 = arith.constant 0 : i32
        %dma_wait3A_582 = arith.constant 0 : i32
        %dma_wait3A_583 = tpu.memref_slice %arg6[%dma_wait3A_572, %dma_wait3A_581, %dma_wait3A_582] : memref<5x128x128xf32, #tpu.memory_space<vmem>> -> memref<1x128x128xf32, #tpu.memory_space<vmem>>
        %dma_wait3A_584 = tpu.memref_squeeze %dma_wait3A_583 : memref<1x128x128xf32, #tpu.memory_space<vmem>> -> memref<128x128xf32, #tpu.memory_space<vmem>>
        tpu.wait_dma2 semaphore(%arg8 : memref<!tpu.dma_semaphore, #tpu.memory_space<semaphore_mem>>) src(%dma_wait3A_584 : memref<128x128xf32, #tpu.memory_space<vmem>>) dst(%dma_wait3A_580 : memref<128x128xf32, #tpu.memory_space<hbm>>)
      } else {
      }
      %add3A_377 = arith.constant 2 : i32
      %add3A_378 = arith.addi %add3A_371, %add3A_377 : i32
      %lt3A_379 = arith.constant 200 : i32
      %lt3A_380 = arith.cmpi slt, %add3A_378, %lt3A_379 : i32
      %convert_element_type3A_381 = arith.extui %lt3A_380 : i1 to i32
      %cond3A_382 = arith.constant 0 : i32
      %cond3A_383 = arith.cmpi ne, %convert_element_type3A_381, %cond3A_382 : i32
      scf.if %cond3A_383 {
        %jit3A_567 = arith.constant 8 : i32
        %eq3A_568 = arith.constant 0 : i32
        %eq3A_569 = arith.cmpi eq, %jit3A_567, %eq3A_568 : i32
        %jit3A_570 = arith.constant 1 : i32
        %select_n3A_571 = arith.select %eq3A_569, %jit3A_570, %jit3A_567 : i32
        %rem3A_572 = arith.remsi %add3A_378, %select_n3A_571 : i32
        %ne3A_573 = arith.constant 0 : i32
        %ne3A_574 = arith.cmpi ne, %rem3A_572, %ne3A_573 : i32
        %lt3A_575 = arith.constant 0 : i32
        %lt3A_576 = arith.cmpi slt, %rem3A_572, %lt3A_575 : i32
        %lt3A_577 = arith.constant 0 : i32
        %lt3A_578 = arith.cmpi slt, %select_n3A_571, %lt3A_577 : i32
        %ne3A_579 = arith.xori %lt3A_576, %lt3A_578 : i1
        %and3A_580 = arith.andi %ne3A_579, %ne3A_574 : i1
        %add3A_581 = arith.addi %rem3A_572, %select_n3A_571 : i32
        %select_n3A_582 = arith.select %and3A_580, %add3A_581, %rem3A_572 : i32
        %eq3A_583 = arith.constant 0 : i32
        %eq3A_584 = arith.cmpi eq, %select_n3A_582, %eq3A_583 : i32
        %convert_element_type3A_585 = arith.extui %eq3A_584 : i1 to i32
        %cond3A_586 = arith.constant 0 : i32
        %cond3A_587 = arith.cmpi ne, %convert_element_type3A_585, %cond3A_586 : i32
        scf.if %cond3A_587 {
          %jit3A_655 = arith.constant 8 : i32
          %div3A_656 = arith.divsi %add3A_378, %jit3A_655 : i32
          %sign3A_657 = arith.constant 0 : i32
          %sign3A_658 = arith.cmpi sgt, %add3A_378, %sign3A_657 : i32
          %sign3A_659 = arith.extui %sign3A_658 : i1 to i32
          %sign3A_660 = arith.constant 0 : i32
          %sign3A_661 = arith.cmpi slt, %add3A_378, %sign3A_660 : i32
          %sign3A_662 = arith.extui %sign3A_661 : i1 to i32
          %sign3A_663 = arith.subi %sign3A_659, %sign3A_662 : i32
          %sign3A_664 = arith.constant 0 : i32
          %sign3A_665 = arith.cmpi sgt, %jit3A_655, %sign3A_664 : i32
          %sign3A_666 = arith.extui %sign3A_665 : i1 to i32
          %sign3A_667 = arith.constant 0 : i32
          %sign3A_668 = arith.cmpi slt, %jit3A_655, %sign3A_667 : i32
          %sign3A_669 = arith.extui %sign3A_668 : i1 to i32
          %sign3A_670 = arith.subi %sign3A_666, %sign3A_669 : i32
          %ne3A_671 = arith.cmpi ne, %sign3A_663, %sign3A_670 : i32
          %rem3A_672 = arith.remsi %add3A_378, %jit3A_655 : i32
          %ne3A_673 = arith.constant 0 : i32
          %ne3A_674 = arith.cmpi ne, %rem3A_672, %ne3A_673 : i32
          %and3A_675 = arith.andi %ne3A_671, %ne3A_674 : i1
          %sub3A_676 = arith.constant 1 : i32
          %sub3A_677 = arith.subi %div3A_656, %sub3A_676 : i32
          %select_n3A_678 = arith.select %and3A_675, %sub3A_677, %div3A_656 : i32
          %mul3A_679 = arith.constant 8 : i32
          %mul3A_680 = arith.muli %select_n3A_678, %mul3A_679 : i32
          %add3A_681 = arith.addi %mul3A_2, %mul3A_680 : i32
          %jit3A_682 = arith.constant 2 : i32
          %eq3A_683 = arith.constant 0 : i32
          %eq3A_684 = arith.cmpi eq, %jit3A_682, %eq3A_683 : i32
          %jit3A_685 = arith.constant 1 : i32
          %select_n3A_686 = arith.select %eq3A_684, %jit3A_685, %jit3A_682 : i32
          %rem3A_687 = arith.remsi %select_n3A_678, %select_n3A_686 : i32
          %ne3A_688 = arith.constant 0 : i32
          %ne3A_689 = arith.cmpi ne, %rem3A_687, %ne3A_688 : i32
          %lt3A_690 = arith.constant 0 : i32
          %lt3A_691 = arith.cmpi slt, %rem3A_687, %lt3A_690 : i32
          %lt3A_692 = arith.constant 0 : i32
          %lt3A_693 = arith.cmpi slt, %select_n3A_686, %lt3A_692 : i32
          %ne3A_694 = arith.xori %lt3A_691, %lt3A_693 : i1
          %and3A_695 = arith.andi %ne3A_694, %ne3A_689 : i1
          %add3A_696 = arith.addi %rem3A_687, %select_n3A_686 : i32
          %select_n3A_697 = arith.select %and3A_695, %add3A_696, %rem3A_687 : i32
          "tpu.region"() ({
            %run_scoped3A_698 = tpu.sem_alloc : memref<!tpu.dma_semaphore, #tpu.memory_space<semaphore_mem>>
            %dma_start3A_699 = arith.constant 0 : i32
            %dma_start3A_700 = arith.constant 0 : i32
            %dma_start3A_701 = tpu.memref_slice %arg5[%select_n3A_697, %dma_start3A_699, %dma_start3A_700] : memref<2x8x128xi32, #tpu.memory_space<vmem>> -> memref<1x8x128xi32, #tpu.memory_space<vmem>>
            %dma_start3A_702 = tpu.memref_squeeze %dma_start3A_701 : memref<1x8x128xi32, #tpu.memory_space<vmem>> -> memref<8x128xi32, #tpu.memory_space<vmem>>
            %dma_start3A_703 = arith.constant 0 : i32
            %dma_start3A_704 = tpu.memref_slice %arg2[%add3A_681, %dma_start3A_703] : memref<6400x128xi32, #tpu.memory_space<hbm>> -> memref<8x128xi32, #tpu.memory_space<hbm>>
            %dma_start3A_705 = arith.constant 0 : i32
            %dma_start3A_706 = arith.constant 0 : i32
            %dma_start3A_707 = tpu.memref_slice %arg5[%select_n3A_697, %dma_start3A_705, %dma_start3A_706] : memref<2x8x128xi32, #tpu.memory_space<vmem>> -> memref<1x8x128xi32, #tpu.memory_space<vmem>>
            %dma_start3A_708 = tpu.memref_squeeze %dma_start3A_707 : memref<1x8x128xi32, #tpu.memory_space<vmem>> -> memref<8x128xi32, #tpu.memory_space<vmem>>
            %dma_start3A_709 = arith.constant 0 : i32
            %dma_start3A_710 = tpu.memref_slice %arg2[%add3A_681, %dma_start3A_709] : memref<6400x128xi32, #tpu.memory_space<hbm>> -> memref<8x128xi32, #tpu.memory_space<hbm>>
            tpu.enqueue_dma source(%dma_start3A_710 : memref<8x128xi32, #tpu.memory_space<hbm>>) target(%dma_start3A_708 : memref<8x128xi32, #tpu.memory_space<vmem>>) target_semaphore(%run_scoped3A_698 : memref<!tpu.dma_semaphore, #tpu.memory_space<semaphore_mem>>)
            %dma_wait3A_711 = arith.constant 0 : i32
            %dma_wait3A_712 = arith.constant 0 : i32
            %dma_wait3A_713 = tpu.memref_slice %arg5[%select_n3A_697, %dma_wait3A_711, %dma_wait3A_712] : memref<2x8x128xi32, #tpu.memory_space<vmem>> -> memref<1x8x128xi32, #tpu.memory_space<vmem>>
            %dma_wait3A_714 = tpu.memref_squeeze %dma_wait3A_713 : memref<1x8x128xi32, #tpu.memory_space<vmem>> -> memref<8x128xi32, #tpu.memory_space<vmem>>
            %dma_wait3A_715 = arith.constant 0 : i32
            %dma_wait3A_716 = tpu.memref_slice %arg2[%add3A_681, %dma_wait3A_715] : memref<6400x128xi32, #tpu.memory_space<hbm>> -> memref<8x128xi32, #tpu.memory_space<hbm>>
            %dma_wait3A_717 = arith.constant 0 : i32
            %dma_wait3A_718 = arith.constant 0 : i32
            %dma_wait3A_719 = tpu.memref_slice %arg5[%select_n3A_697, %dma_wait3A_717, %dma_wait3A_718] : memref<2x8x128xi32, #tpu.memory_space<vmem>> -> memref<1x8x128xi32, #tpu.memory_space<vmem>>
            %dma_wait3A_720 = tpu.memref_squeeze %dma_wait3A_719 : memref<1x8x128xi32, #tpu.memory_space<vmem>> -> memref<8x128xi32, #tpu.memory_space<vmem>>
            %dma_wait3A_721 = arith.constant 0 : i32
            %dma_wait3A_722 = tpu.memref_slice %arg2[%add3A_681, %dma_wait3A_721] : memref<6400x128xi32, #tpu.memory_space<hbm>> -> memref<8x128xi32, #tpu.memory_space<hbm>>
            tpu.wait_dma2 semaphore(%run_scoped3A_698 : memref<!tpu.dma_semaphore, #tpu.memory_space<semaphore_mem>>) src(%dma_wait3A_722 : memref<8x128xi32, #tpu.memory_space<hbm>>) dst(%dma_wait3A_720 : memref<8x128xi32, #tpu.memory_space<vmem>>)
            tpu.yield
          }) : () -> ()
        } else {
        }
        %jit3A_588 = arith.constant 8 : i32
        %div3A_589 = arith.divsi %add3A_378, %jit3A_588 : i32
        %sign3A_590 = arith.constant 0 : i32
        %sign3A_591 = arith.cmpi sgt, %add3A_378, %sign3A_590 : i32
        %sign3A_592 = arith.extui %sign3A_591 : i1 to i32
        %sign3A_593 = arith.constant 0 : i32
        %sign3A_594 = arith.cmpi slt, %add3A_378, %sign3A_593 : i32
        %sign3A_595 = arith.extui %sign3A_594 : i1 to i32
        %sign3A_596 = arith.subi %sign3A_592, %sign3A_595 : i32
        %sign3A_597 = arith.constant 0 : i32
        %sign3A_598 = arith.cmpi sgt, %jit3A_588, %sign3A_597 : i32
        %sign3A_599 = arith.extui %sign3A_598 : i1 to i32
        %sign3A_600 = arith.constant 0 : i32
        %sign3A_601 = arith.cmpi slt, %jit3A_588, %sign3A_600 : i32
        %sign3A_602 = arith.extui %sign3A_601 : i1 to i32
        %sign3A_603 = arith.subi %sign3A_599, %sign3A_602 : i32
        %ne3A_604 = arith.cmpi ne, %sign3A_596, %sign3A_603 : i32
        %rem3A_605 = arith.remsi %add3A_378, %jit3A_588 : i32
        %ne3A_606 = arith.constant 0 : i32
        %ne3A_607 = arith.cmpi ne, %rem3A_605, %ne3A_606 : i32
        %and3A_608 = arith.andi %ne3A_604, %ne3A_607 : i1
        %sub3A_609 = arith.constant 1 : i32
        %sub3A_610 = arith.subi %div3A_589, %sub3A_609 : i32
        %select_n3A_611 = arith.select %and3A_608, %sub3A_610, %div3A_589 : i32
        %jit3A_612 = arith.constant 2 : i32
        %eq3A_613 = arith.constant 0 : i32
        %eq3A_614 = arith.cmpi eq, %jit3A_612, %eq3A_613 : i32
        %jit3A_615 = arith.constant 1 : i32
        %select_n3A_616 = arith.select %eq3A_614, %jit3A_615, %jit3A_612 : i32
        %rem3A_617 = arith.remsi %select_n3A_611, %select_n3A_616 : i32
        %ne3A_618 = arith.constant 0 : i32
        %ne3A_619 = arith.cmpi ne, %rem3A_617, %ne3A_618 : i32
        %lt3A_620 = arith.constant 0 : i32
        %lt3A_621 = arith.cmpi slt, %rem3A_617, %lt3A_620 : i32
        %lt3A_622 = arith.constant 0 : i32
        %lt3A_623 = arith.cmpi slt, %select_n3A_616, %lt3A_622 : i32
        %ne3A_624 = arith.xori %lt3A_621, %lt3A_623 : i1
        %and3A_625 = arith.andi %ne3A_624, %ne3A_619 : i1
        %add3A_626 = arith.addi %rem3A_617, %select_n3A_616 : i32
        %select_n3A_627 = arith.select %and3A_625, %add3A_626, %rem3A_617 : i32
        %jit3A_628 = arith.constant 8 : i32
        %eq3A_629 = arith.constant 0 : i32
        %eq3A_630 = arith.cmpi eq, %jit3A_628, %eq3A_629 : i32
        %jit3A_631 = arith.constant 1 : i32
        %select_n3A_632 = arith.select %eq3A_630, %jit3A_631, %jit3A_628 : i32
        %rem3A_633 = arith.remsi %add3A_378, %select_n3A_632 : i32
        %ne3A_634 = arith.constant 0 : i32
        %ne3A_635 = arith.cmpi ne, %rem3A_633, %ne3A_634 : i32
        %lt3A_636 = arith.constant 0 : i32
        %lt3A_637 = arith.cmpi slt, %rem3A_633, %lt3A_636 : i32
        %lt3A_638 = arith.constant 0 : i32
        %lt3A_639 = arith.cmpi slt, %select_n3A_632, %lt3A_638 : i32
        %ne3A_640 = arith.xori %lt3A_637, %lt3A_639 : i1
        %and3A_641 = arith.andi %ne3A_640, %ne3A_635 : i1
        %add3A_642 = arith.addi %rem3A_633, %select_n3A_632 : i32
        %select_n3A_643 = arith.select %and3A_641, %add3A_642, %rem3A_633 : i32
        %dma_start3A_644 = arith.constant 0 : i32
        %dma_start3A_645 = arith.constant 0 : i32
        %dma_start3A_646 = arith.constant 0 : i32
        %dma_start3A_647 = tpu.memref_slice %arg6[%dma_start3A_644, %dma_start3A_645, %dma_start3A_646] : memref<5x128x128xf32, #tpu.memory_space<vmem>> -> memref<1x128x128xf32, #tpu.memory_space<vmem>>
        %dma_start3A_648 = tpu.memref_squeeze %dma_start3A_647 : memref<1x128x128xf32, #tpu.memory_space<vmem>> -> memref<128x128xf32, #tpu.memory_space<vmem>>
        %dma_start3A_649 = arith.constant 0 : i32
        %dma_start3A_650 = tpu.memref_slice %arg5[%select_n3A_627, %select_n3A_643, %dma_start3A_649] : memref<2x8x128xi32, #tpu.memory_space<vmem>> -> memref<1x1x128xi32, #tpu.memory_space<vmem>>
        %dma_start3A_651 = tpu.memref_squeeze %dma_start3A_650 : memref<1x1x128xi32, #tpu.memory_space<vmem>> -> memref<128xi32, #tpu.memory_space<vmem>>
        %dma_start3A_652 = arith.constant 0 : i32
        %dma_start3A_653 = arith.constant 0 : i32
        %dma_start3A_654 = tpu.memref_slice %arg3[%dma_start3A_652, %dma_start3A_653] : memref<1000000x128xf32, #tpu.memory_space<hbm>> -> memref<1000000x128xf32, #tpu.memory_space<hbm>>
        tpu.enqueue_indirect_dma source(%dma_start3A_654 : memref<1000000x128xf32, #tpu.memory_space<hbm>>) target(%dma_start3A_648 : memref<128x128xf32, #tpu.memory_space<vmem>>) offsets(%dma_start3A_651 : memref<128xi32, #tpu.memory_space<vmem>>) semaphore(%arg7 : memref<!tpu.dma_semaphore, #tpu.memory_space<semaphore_mem>>)
      } else {
      }
      %jit3A_384 = arith.constant 8 : i32
      %div3A_385 = arith.divsi %add3A_371, %jit3A_384 : i32
      %sign3A_386 = arith.constant 0 : i32
      %sign3A_387 = arith.cmpi sgt, %add3A_371, %sign3A_386 : i32
      %sign3A_388 = arith.extui %sign3A_387 : i1 to i32
      %sign3A_389 = arith.constant 0 : i32
      %sign3A_390 = arith.cmpi slt, %add3A_371, %sign3A_389 : i32
      %sign3A_391 = arith.extui %sign3A_390 : i1 to i32
      %sign3A_392 = arith.subi %sign3A_388, %sign3A_391 : i32
      %sign3A_393 = arith.constant 0 : i32
      %sign3A_394 = arith.cmpi sgt, %jit3A_384, %sign3A_393 : i32
      %sign3A_395 = arith.extui %sign3A_394 : i1 to i32
      %sign3A_396 = arith.constant 0 : i32
      %sign3A_397 = arith.cmpi slt, %jit3A_384, %sign3A_396 : i32
      %sign3A_398 = arith.extui %sign3A_397 : i1 to i32
      %sign3A_399 = arith.subi %sign3A_395, %sign3A_398 : i32
      %ne3A_400 = arith.cmpi ne, %sign3A_392, %sign3A_399 : i32
      %rem3A_401 = arith.remsi %add3A_371, %jit3A_384 : i32
      %ne3A_402 = arith.constant 0 : i32
      %ne3A_403 = arith.cmpi ne, %rem3A_401, %ne3A_402 : i32
      %and3A_404 = arith.andi %ne3A_400, %ne3A_403 : i1
      %sub3A_405 = arith.constant 1 : i32
      %sub3A_406 = arith.subi %div3A_385, %sub3A_405 : i32
      %select_n3A_407 = arith.select %and3A_404, %sub3A_406, %div3A_385 : i32
      %jit3A_408 = arith.constant 2 : i32
      %eq3A_409 = arith.constant 0 : i32
      %eq3A_410 = arith.cmpi eq, %jit3A_408, %eq3A_409 : i32
      %jit3A_411 = arith.constant 1 : i32
      %select_n3A_412 = arith.select %eq3A_410, %jit3A_411, %jit3A_408 : i32
      %rem3A_413 = arith.remsi %select_n3A_407, %select_n3A_412 : i32
      %ne3A_414 = arith.constant 0 : i32
      %ne3A_415 = arith.cmpi ne, %rem3A_413, %ne3A_414 : i32
      %lt3A_416 = arith.constant 0 : i32
      %lt3A_417 = arith.cmpi slt, %rem3A_413, %lt3A_416 : i32
      %lt3A_418 = arith.constant 0 : i32
      %lt3A_419 = arith.cmpi slt, %select_n3A_412, %lt3A_418 : i32
      %ne3A_420 = arith.xori %lt3A_417, %lt3A_419 : i1
      %and3A_421 = arith.andi %ne3A_420, %ne3A_415 : i1
      %add3A_422 = arith.addi %rem3A_413, %select_n3A_412 : i32
      %select_n3A_423 = arith.select %and3A_421, %add3A_422, %rem3A_413 : i32
      %jit3A_424 = arith.constant 8 : i32
      %eq3A_425 = arith.constant 0 : i32
      %eq3A_426 = arith.cmpi eq, %jit3A_424, %eq3A_425 : i32
      %jit3A_427 = arith.constant 1 : i32
      %select_n3A_428 = arith.select %eq3A_426, %jit3A_427, %jit3A_424 : i32
      %rem3A_429 = arith.remsi %add3A_371, %select_n3A_428 : i32
      %ne3A_430 = arith.constant 0 : i32
      %ne3A_431 = arith.cmpi ne, %rem3A_429, %ne3A_430 : i32
      %lt3A_432 = arith.constant 0 : i32
      %lt3A_433 = arith.cmpi slt, %rem3A_429, %lt3A_432 : i32
      %lt3A_434 = arith.constant 0 : i32
      %lt3A_435 = arith.cmpi slt, %select_n3A_428, %lt3A_434 : i32
      %ne3A_436 = arith.xori %lt3A_433, %lt3A_435 : i1
      %and3A_437 = arith.andi %ne3A_436, %ne3A_431 : i1
      %add3A_438 = arith.addi %rem3A_429, %select_n3A_428 : i32
      %select_n3A_439 = arith.select %and3A_437, %add3A_438, %rem3A_429 : i32
      %dma_wait3A_440 = arith.constant 3 : i32
      %dma_wait3A_441 = arith.constant 0 : i32
      %dma_wait3A_442 = arith.constant 0 : i32
      %dma_wait3A_443 = tpu.memref_slice %arg6[%dma_wait3A_440, %dma_wait3A_441, %dma_wait3A_442] : memref<5x128x128xf32, #tpu.memory_space<vmem>> -> memref<1x128x128xf32, #tpu.memory_space<vmem>>
      %dma_wait3A_444 = tpu.memref_squeeze %dma_wait3A_443 : memref<1x128x128xf32, #tpu.memory_space<vmem>> -> memref<128x128xf32, #tpu.memory_space<vmem>>
      %dma_wait3A_445 = arith.constant 0 : i32
      %dma_wait3A_446 = tpu.memref_slice %arg5[%select_n3A_423, %select_n3A_439, %dma_wait3A_445] : memref<2x8x128xi32, #tpu.memory_space<vmem>> -> memref<1x1x128xi32, #tpu.memory_space<vmem>>
      %dma_wait3A_447 = tpu.memref_squeeze %dma_wait3A_446 : memref<1x1x128xi32, #tpu.memory_space<vmem>> -> memref<128xi32, #tpu.memory_space<vmem>>
      %dma_wait3A_448 = arith.constant 0 : i32
      %dma_wait3A_449 = arith.constant 0 : i32
      %dma_wait3A_450 = tpu.memref_slice %arg3[%dma_wait3A_448, %dma_wait3A_449] : memref<1000000x128xf32, #tpu.memory_space<hbm>> -> memref<1000000x128xf32, #tpu.memory_space<hbm>>
      tpu.wait_indirect_dma semaphore(%arg7 : memref<!tpu.dma_semaphore, #tpu.memory_space<semaphore_mem>>) src(%dma_wait3A_450 : memref<1000000x128xf32, #tpu.memory_space<hbm>>) dst(%dma_wait3A_444 : memref<128x128xf32, #tpu.memory_space<vmem>>)
      %mul3A_451 = arith.constant 128 : i32
      %mul3A_452 = arith.muli %add3A_371, %mul3A_451 : i32
      %add3A_453 = arith.addi %mul3A_4, %mul3A_452 : i32
      %dma_start3A_454 = arith.constant 3 : i32
      %dma_start3A_455 = arith.constant 0 : i32
      %dma_start3A_456 = arith.constant 0 : i32
      %dma_start3A_457 = tpu.memref_slice %arg6[%dma_start3A_454, %dma_start3A_455, %dma_start3A_456] : memref<5x128x128xf32, #tpu.memory_space<vmem>> -> memref<1x128x128xf32, #tpu.memory_space<vmem>>
      %dma_start3A_458 = tpu.memref_squeeze %dma_start3A_457 : memref<1x128x128xf32, #tpu.memory_space<vmem>> -> memref<128x128xf32, #tpu.memory_space<vmem>>
      %dma_start3A_459 = arith.constant 0 : i32
      %dma_start3A_460 = tpu.memref_slice %arg4[%add3A_453, %dma_start3A_459] : memref<819200x128xf32, #tpu.memory_space<hbm>> -> memref<128x128xf32, #tpu.memory_space<hbm>>
      %dma_start3A_461 = arith.constant 0 : i32
      %dma_start3A_462 = tpu.memref_slice %arg4[%add3A_453, %dma_start3A_461] : memref<819200x128xf32, #tpu.memory_space<hbm>> -> memref<128x128xf32, #tpu.memory_space<hbm>>
      %dma_start3A_463 = arith.constant 0 : i32
      %dma_start3A_464 = arith.constant 0 : i32
      %dma_start3A_465 = tpu.memref_slice %arg6[%dma_start3A_454, %dma_start3A_463, %dma_start3A_464] : memref<5x128x128xf32, #tpu.memory_space<vmem>> -> memref<1x128x128xf32, #tpu.memory_space<vmem>>
      %dma_start3A_466 = tpu.memref_squeeze %dma_start3A_465 : memref<1x128x128xf32, #tpu.memory_space<vmem>> -> memref<128x128xf32, #tpu.memory_space<vmem>>
      tpu.enqueue_dma source(%dma_start3A_466 : memref<128x128xf32, #tpu.memory_space<vmem>>) target(%dma_start3A_462 : memref<128x128xf32, #tpu.memory_space<hbm>>) target_semaphore(%arg8 : memref<!tpu.dma_semaphore, #tpu.memory_space<semaphore_mem>>)
      %mul3A_467 = arith.constant 5 : i32
      %mul3A_468 = arith.muli %scan3A_82, %mul3A_467 : i32
      %add3A_469 = arith.constant 4 : i32
      %add3A_470 = arith.addi %mul3A_468, %add3A_469 : i32
      %ge3A_471 = arith.constant 3 : i32
      %ge3A_472 = arith.cmpi sge, %add3A_470, %ge3A_471 : i32
      %convert_element_type3A_473 = arith.extui %ge3A_472 : i1 to i32
      %cond3A_474 = arith.constant 0 : i32
      %cond3A_475 = arith.cmpi ne, %convert_element_type3A_473, %cond3A_474 : i32
      scf.if %cond3A_475 {
        %sub3A_567 = arith.constant 3 : i32
        %sub3A_568 = arith.subi %add3A_470, %sub3A_567 : i32
        %mul3A_569 = arith.constant 128 : i32
        %mul3A_570 = arith.muli %sub3A_568, %mul3A_569 : i32
        %add3A_571 = arith.addi %mul3A_4, %mul3A_570 : i32
        %dma_wait3A_572 = arith.constant 1 : i32
        %dma_wait3A_573 = arith.constant 0 : i32
        %dma_wait3A_574 = arith.constant 0 : i32
        %dma_wait3A_575 = tpu.memref_slice %arg6[%dma_wait3A_572, %dma_wait3A_573, %dma_wait3A_574] : memref<5x128x128xf32, #tpu.memory_space<vmem>> -> memref<1x128x128xf32, #tpu.memory_space<vmem>>
        %dma_wait3A_576 = tpu.memref_squeeze %dma_wait3A_575 : memref<1x128x128xf32, #tpu.memory_space<vmem>> -> memref<128x128xf32, #tpu.memory_space<vmem>>
        %dma_wait3A_577 = arith.constant 0 : i32
        %dma_wait3A_578 = tpu.memref_slice %arg4[%add3A_571, %dma_wait3A_577] : memref<819200x128xf32, #tpu.memory_space<hbm>> -> memref<128x128xf32, #tpu.memory_space<hbm>>
        %dma_wait3A_579 = arith.constant 0 : i32
        %dma_wait3A_580 = tpu.memref_slice %arg4[%add3A_571, %dma_wait3A_579] : memref<819200x128xf32, #tpu.memory_space<hbm>> -> memref<128x128xf32, #tpu.memory_space<hbm>>
        %dma_wait3A_581 = arith.constant 0 : i32
        %dma_wait3A_582 = arith.constant 0 : i32
        %dma_wait3A_583 = tpu.memref_slice %arg6[%dma_wait3A_572, %dma_wait3A_581, %dma_wait3A_582] : memref<5x128x128xf32, #tpu.memory_space<vmem>> -> memref<1x128x128xf32, #tpu.memory_space<vmem>>
        %dma_wait3A_584 = tpu.memref_squeeze %dma_wait3A_583 : memref<1x128x128xf32, #tpu.memory_space<vmem>> -> memref<128x128xf32, #tpu.memory_space<vmem>>
        tpu.wait_dma2 semaphore(%arg8 : memref<!tpu.dma_semaphore, #tpu.memory_space<semaphore_mem>>) src(%dma_wait3A_584 : memref<128x128xf32, #tpu.memory_space<vmem>>) dst(%dma_wait3A_580 : memref<128x128xf32, #tpu.memory_space<hbm>>)
      } else {
      }
      %add3A_476 = arith.constant 2 : i32
      %add3A_477 = arith.addi %add3A_470, %add3A_476 : i32
      %lt3A_478 = arith.constant 200 : i32
      %lt3A_479 = arith.cmpi slt, %add3A_477, %lt3A_478 : i32
      %convert_element_type3A_480 = arith.extui %lt3A_479 : i1 to i32
      %cond3A_481 = arith.constant 0 : i32
      %cond3A_482 = arith.cmpi ne, %convert_element_type3A_480, %cond3A_481 : i32
      scf.if %cond3A_482 {
        %jit3A_567 = arith.constant 8 : i32
        %eq3A_568 = arith.constant 0 : i32
        %eq3A_569 = arith.cmpi eq, %jit3A_567, %eq3A_568 : i32
        %jit3A_570 = arith.constant 1 : i32
        %select_n3A_571 = arith.select %eq3A_569, %jit3A_570, %jit3A_567 : i32
        %rem3A_572 = arith.remsi %add3A_477, %select_n3A_571 : i32
        %ne3A_573 = arith.constant 0 : i32
        %ne3A_574 = arith.cmpi ne, %rem3A_572, %ne3A_573 : i32
        %lt3A_575 = arith.constant 0 : i32
        %lt3A_576 = arith.cmpi slt, %rem3A_572, %lt3A_575 : i32
        %lt3A_577 = arith.constant 0 : i32
        %lt3A_578 = arith.cmpi slt, %select_n3A_571, %lt3A_577 : i32
        %ne3A_579 = arith.xori %lt3A_576, %lt3A_578 : i1
        %and3A_580 = arith.andi %ne3A_579, %ne3A_574 : i1
        %add3A_581 = arith.addi %rem3A_572, %select_n3A_571 : i32
        %select_n3A_582 = arith.select %and3A_580, %add3A_581, %rem3A_572 : i32
        %eq3A_583 = arith.constant 0 : i32
        %eq3A_584 = arith.cmpi eq, %select_n3A_582, %eq3A_583 : i32
        %convert_element_type3A_585 = arith.extui %eq3A_584 : i1 to i32
        %cond3A_586 = arith.constant 0 : i32
        %cond3A_587 = arith.cmpi ne, %convert_element_type3A_585, %cond3A_586 : i32
        scf.if %cond3A_587 {
          %jit3A_655 = arith.constant 8 : i32
          %div3A_656 = arith.divsi %add3A_477, %jit3A_655 : i32
          %sign3A_657 = arith.constant 0 : i32
          %sign3A_658 = arith.cmpi sgt, %add3A_477, %sign3A_657 : i32
          %sign3A_659 = arith.extui %sign3A_658 : i1 to i32
          %sign3A_660 = arith.constant 0 : i32
          %sign3A_661 = arith.cmpi slt, %add3A_477, %sign3A_660 : i32
          %sign3A_662 = arith.extui %sign3A_661 : i1 to i32
          %sign3A_663 = arith.subi %sign3A_659, %sign3A_662 : i32
          %sign3A_664 = arith.constant 0 : i32
          %sign3A_665 = arith.cmpi sgt, %jit3A_655, %sign3A_664 : i32
          %sign3A_666 = arith.extui %sign3A_665 : i1 to i32
          %sign3A_667 = arith.constant 0 : i32
          %sign3A_668 = arith.cmpi slt, %jit3A_655, %sign3A_667 : i32
          %sign3A_669 = arith.extui %sign3A_668 : i1 to i32
          %sign3A_670 = arith.subi %sign3A_666, %sign3A_669 : i32
          %ne3A_671 = arith.cmpi ne, %sign3A_663, %sign3A_670 : i32
          %rem3A_672 = arith.remsi %add3A_477, %jit3A_655 : i32
          %ne3A_673 = arith.constant 0 : i32
          %ne3A_674 = arith.cmpi ne, %rem3A_672, %ne3A_673 : i32
          %and3A_675 = arith.andi %ne3A_671, %ne3A_674 : i1
          %sub3A_676 = arith.constant 1 : i32
          %sub3A_677 = arith.subi %div3A_656, %sub3A_676 : i32
          %select_n3A_678 = arith.select %and3A_675, %sub3A_677, %div3A_656 : i32
          %mul3A_679 = arith.constant 8 : i32
          %mul3A_680 = arith.muli %select_n3A_678, %mul3A_679 : i32
          %add3A_681 = arith.addi %mul3A_2, %mul3A_680 : i32
          %jit3A_682 = arith.constant 2 : i32
          %eq3A_683 = arith.constant 0 : i32
          %eq3A_684 = arith.cmpi eq, %jit3A_682, %eq3A_683 : i32
          %jit3A_685 = arith.constant 1 : i32
          %select_n3A_686 = arith.select %eq3A_684, %jit3A_685, %jit3A_682 : i32
          %rem3A_687 = arith.remsi %select_n3A_678, %select_n3A_686 : i32
          %ne3A_688 = arith.constant 0 : i32
          %ne3A_689 = arith.cmpi ne, %rem3A_687, %ne3A_688 : i32
          %lt3A_690 = arith.constant 0 : i32
          %lt3A_691 = arith.cmpi slt, %rem3A_687, %lt3A_690 : i32
          %lt3A_692 = arith.constant 0 : i32
          %lt3A_693 = arith.cmpi slt, %select_n3A_686, %lt3A_692 : i32
          %ne3A_694 = arith.xori %lt3A_691, %lt3A_693 : i1
          %and3A_695 = arith.andi %ne3A_694, %ne3A_689 : i1
          %add3A_696 = arith.addi %rem3A_687, %select_n3A_686 : i32
          %select_n3A_697 = arith.select %and3A_695, %add3A_696, %rem3A_687 : i32
          "tpu.region"() ({
            %run_scoped3A_698 = tpu.sem_alloc : memref<!tpu.dma_semaphore, #tpu.memory_space<semaphore_mem>>
            %dma_start3A_699 = arith.constant 0 : i32
            %dma_start3A_700 = arith.constant 0 : i32
            %dma_start3A_701 = tpu.memref_slice %arg5[%select_n3A_697, %dma_start3A_699, %dma_start3A_700] : memref<2x8x128xi32, #tpu.memory_space<vmem>> -> memref<1x8x128xi32, #tpu.memory_space<vmem>>
            %dma_start3A_702 = tpu.memref_squeeze %dma_start3A_701 : memref<1x8x128xi32, #tpu.memory_space<vmem>> -> memref<8x128xi32, #tpu.memory_space<vmem>>
            %dma_start3A_703 = arith.constant 0 : i32
            %dma_start3A_704 = tpu.memref_slice %arg2[%add3A_681, %dma_start3A_703] : memref<6400x128xi32, #tpu.memory_space<hbm>> -> memref<8x128xi32, #tpu.memory_space<hbm>>
            %dma_start3A_705 = arith.constant 0 : i32
            %dma_start3A_706 = arith.constant 0 : i32
            %dma_start3A_707 = tpu.memref_slice %arg5[%select_n3A_697, %dma_start3A_705, %dma_start3A_706] : memref<2x8x128xi32, #tpu.memory_space<vmem>> -> memref<1x8x128xi32, #tpu.memory_space<vmem>>
            %dma_start3A_708 = tpu.memref_squeeze %dma_start3A_707 : memref<1x8x128xi32, #tpu.memory_space<vmem>> -> memref<8x128xi32, #tpu.memory_space<vmem>>
            %dma_start3A_709 = arith.constant 0 : i32
            %dma_start3A_710 = tpu.memref_slice %arg2[%add3A_681, %dma_start3A_709] : memref<6400x128xi32, #tpu.memory_space<hbm>> -> memref<8x128xi32, #tpu.memory_space<hbm>>
            tpu.enqueue_dma source(%dma_start3A_710 : memref<8x128xi32, #tpu.memory_space<hbm>>) target(%dma_start3A_708 : memref<8x128xi32, #tpu.memory_space<vmem>>) target_semaphore(%run_scoped3A_698 : memref<!tpu.dma_semaphore, #tpu.memory_space<semaphore_mem>>)
            %dma_wait3A_711 = arith.constant 0 : i32
            %dma_wait3A_712 = arith.constant 0 : i32
            %dma_wait3A_713 = tpu.memref_slice %arg5[%select_n3A_697, %dma_wait3A_711, %dma_wait3A_712] : memref<2x8x128xi32, #tpu.memory_space<vmem>> -> memref<1x8x128xi32, #tpu.memory_space<vmem>>
            %dma_wait3A_714 = tpu.memref_squeeze %dma_wait3A_713 : memref<1x8x128xi32, #tpu.memory_space<vmem>> -> memref<8x128xi32, #tpu.memory_space<vmem>>
            %dma_wait3A_715 = arith.constant 0 : i32
            %dma_wait3A_716 = tpu.memref_slice %arg2[%add3A_681, %dma_wait3A_715] : memref<6400x128xi32, #tpu.memory_space<hbm>> -> memref<8x128xi32, #tpu.memory_space<hbm>>
            %dma_wait3A_717 = arith.constant 0 : i32
            %dma_wait3A_718 = arith.constant 0 : i32
            %dma_wait3A_719 = tpu.memref_slice %arg5[%select_n3A_697, %dma_wait3A_717, %dma_wait3A_718] : memref<2x8x128xi32, #tpu.memory_space<vmem>> -> memref<1x8x128xi32, #tpu.memory_space<vmem>>
            %dma_wait3A_720 = tpu.memref_squeeze %dma_wait3A_719 : memref<1x8x128xi32, #tpu.memory_space<vmem>> -> memref<8x128xi32, #tpu.memory_space<vmem>>
            %dma_wait3A_721 = arith.constant 0 : i32
            %dma_wait3A_722 = tpu.memref_slice %arg2[%add3A_681, %dma_wait3A_721] : memref<6400x128xi32, #tpu.memory_space<hbm>> -> memref<8x128xi32, #tpu.memory_space<hbm>>
            tpu.wait_dma2 semaphore(%run_scoped3A_698 : memref<!tpu.dma_semaphore, #tpu.memory_space<semaphore_mem>>) src(%dma_wait3A_722 : memref<8x128xi32, #tpu.memory_space<hbm>>) dst(%dma_wait3A_720 : memref<8x128xi32, #tpu.memory_space<vmem>>)
            tpu.yield
          }) : () -> ()
        } else {
        }
        %jit3A_588 = arith.constant 8 : i32
        %div3A_589 = arith.divsi %add3A_477, %jit3A_588 : i32
        %sign3A_590 = arith.constant 0 : i32
        %sign3A_591 = arith.cmpi sgt, %add3A_477, %sign3A_590 : i32
        %sign3A_592 = arith.extui %sign3A_591 : i1 to i32
        %sign3A_593 = arith.constant 0 : i32
        %sign3A_594 = arith.cmpi slt, %add3A_477, %sign3A_593 : i32
        %sign3A_595 = arith.extui %sign3A_594 : i1 to i32
        %sign3A_596 = arith.subi %sign3A_592, %sign3A_595 : i32
        %sign3A_597 = arith.constant 0 : i32
        %sign3A_598 = arith.cmpi sgt, %jit3A_588, %sign3A_597 : i32
        %sign3A_599 = arith.extui %sign3A_598 : i1 to i32
        %sign3A_600 = arith.constant 0 : i32
        %sign3A_601 = arith.cmpi slt, %jit3A_588, %sign3A_600 : i32
        %sign3A_602 = arith.extui %sign3A_601 : i1 to i32
        %sign3A_603 = arith.subi %sign3A_599, %sign3A_602 : i32
        %ne3A_604 = arith.cmpi ne, %sign3A_596, %sign3A_603 : i32
        %rem3A_605 = arith.remsi %add3A_477, %jit3A_588 : i32
        %ne3A_606 = arith.constant 0 : i32
        %ne3A_607 = arith.cmpi ne, %rem3A_605, %ne3A_606 : i32
        %and3A_608 = arith.andi %ne3A_604, %ne3A_607 : i1
        %sub3A_609 = arith.constant 1 : i32
        %sub3A_610 = arith.subi %div3A_589, %sub3A_609 : i32
        %select_n3A_611 = arith.select %and3A_608, %sub3A_610, %div3A_589 : i32
        %jit3A_612 = arith.constant 2 : i32
        %eq3A_613 = arith.constant 0 : i32
        %eq3A_614 = arith.cmpi eq, %jit3A_612, %eq3A_613 : i32
        %jit3A_615 = arith.constant 1 : i32
        %select_n3A_616 = arith.select %eq3A_614, %jit3A_615, %jit3A_612 : i32
        %rem3A_617 = arith.remsi %select_n3A_611, %select_n3A_616 : i32
        %ne3A_618 = arith.constant 0 : i32
        %ne3A_619 = arith.cmpi ne, %rem3A_617, %ne3A_618 : i32
        %lt3A_620 = arith.constant 0 : i32
        %lt3A_621 = arith.cmpi slt, %rem3A_617, %lt3A_620 : i32
        %lt3A_622 = arith.constant 0 : i32
        %lt3A_623 = arith.cmpi slt, %select_n3A_616, %lt3A_622 : i32
        %ne3A_624 = arith.xori %lt3A_621, %lt3A_623 : i1
        %and3A_625 = arith.andi %ne3A_624, %ne3A_619 : i1
        %add3A_626 = arith.addi %rem3A_617, %select_n3A_616 : i32
        %select_n3A_627 = arith.select %and3A_625, %add3A_626, %rem3A_617 : i32
        %jit3A_628 = arith.constant 8 : i32
        %eq3A_629 = arith.constant 0 : i32
        %eq3A_630 = arith.cmpi eq, %jit3A_628, %eq3A_629 : i32
        %jit3A_631 = arith.constant 1 : i32
        %select_n3A_632 = arith.select %eq3A_630, %jit3A_631, %jit3A_628 : i32
        %rem3A_633 = arith.remsi %add3A_477, %select_n3A_632 : i32
        %ne3A_634 = arith.constant 0 : i32
        %ne3A_635 = arith.cmpi ne, %rem3A_633, %ne3A_634 : i32
        %lt3A_636 = arith.constant 0 : i32
        %lt3A_637 = arith.cmpi slt, %rem3A_633, %lt3A_636 : i32
        %lt3A_638 = arith.constant 0 : i32
        %lt3A_639 = arith.cmpi slt, %select_n3A_632, %lt3A_638 : i32
        %ne3A_640 = arith.xori %lt3A_637, %lt3A_639 : i1
        %and3A_641 = arith.andi %ne3A_640, %ne3A_635 : i1
        %add3A_642 = arith.addi %rem3A_633, %select_n3A_632 : i32
        %select_n3A_643 = arith.select %and3A_641, %add3A_642, %rem3A_633 : i32
        %dma_start3A_644 = arith.constant 1 : i32
        %dma_start3A_645 = arith.constant 0 : i32
        %dma_start3A_646 = arith.constant 0 : i32
        %dma_start3A_647 = tpu.memref_slice %arg6[%dma_start3A_644, %dma_start3A_645, %dma_start3A_646] : memref<5x128x128xf32, #tpu.memory_space<vmem>> -> memref<1x128x128xf32, #tpu.memory_space<vmem>>
        %dma_start3A_648 = tpu.memref_squeeze %dma_start3A_647 : memref<1x128x128xf32, #tpu.memory_space<vmem>> -> memref<128x128xf32, #tpu.memory_space<vmem>>
        %dma_start3A_649 = arith.constant 0 : i32
        %dma_start3A_650 = tpu.memref_slice %arg5[%select_n3A_627, %select_n3A_643, %dma_start3A_649] : memref<2x8x128xi32, #tpu.memory_space<vmem>> -> memref<1x1x128xi32, #tpu.memory_space<vmem>>
        %dma_start3A_651 = tpu.memref_squeeze %dma_start3A_650 : memref<1x1x128xi32, #tpu.memory_space<vmem>> -> memref<128xi32, #tpu.memory_space<vmem>>
        %dma_start3A_652 = arith.constant 0 : i32
        %dma_start3A_653 = arith.constant 0 : i32
        %dma_start3A_654 = tpu.memref_slice %arg3[%dma_start3A_652, %dma_start3A_653] : memref<1000000x128xf32, #tpu.memory_space<hbm>> -> memref<1000000x128xf32, #tpu.memory_space<hbm>>
        tpu.enqueue_indirect_dma source(%dma_start3A_654 : memref<1000000x128xf32, #tpu.memory_space<hbm>>) target(%dma_start3A_648 : memref<128x128xf32, #tpu.memory_space<vmem>>) offsets(%dma_start3A_651 : memref<128xi32, #tpu.memory_space<vmem>>) semaphore(%arg7 : memref<!tpu.dma_semaphore, #tpu.memory_space<semaphore_mem>>)
      } else {
      }
      %jit3A_483 = arith.constant 8 : i32
      %div3A_484 = arith.divsi %add3A_470, %jit3A_483 : i32
      %sign3A_485 = arith.constant 0 : i32
      %sign3A_486 = arith.cmpi sgt, %add3A_470, %sign3A_485 : i32
      %sign3A_487 = arith.extui %sign3A_486 : i1 to i32
      %sign3A_488 = arith.constant 0 : i32
      %sign3A_489 = arith.cmpi slt, %add3A_470, %sign3A_488 : i32
      %sign3A_490 = arith.extui %sign3A_489 : i1 to i32
      %sign3A_491 = arith.subi %sign3A_487, %sign3A_490 : i32
      %sign3A_492 = arith.constant 0 : i32
      %sign3A_493 = arith.cmpi sgt, %jit3A_483, %sign3A_492 : i32
      %sign3A_494 = arith.extui %sign3A_493 : i1 to i32
      %sign3A_495 = arith.constant 0 : i32
      %sign3A_496 = arith.cmpi slt, %jit3A_483, %sign3A_495 : i32
      %sign3A_497 = arith.extui %sign3A_496 : i1 to i32
      %sign3A_498 = arith.subi %sign3A_494, %sign3A_497 : i32
      %ne3A_499 = arith.cmpi ne, %sign3A_491, %sign3A_498 : i32
      %rem3A_500 = arith.remsi %add3A_470, %jit3A_483 : i32
      %ne3A_501 = arith.constant 0 : i32
      %ne3A_502 = arith.cmpi ne, %rem3A_500, %ne3A_501 : i32
      %and3A_503 = arith.andi %ne3A_499, %ne3A_502 : i1
      %sub3A_504 = arith.constant 1 : i32
      %sub3A_505 = arith.subi %div3A_484, %sub3A_504 : i32
      %select_n3A_506 = arith.select %and3A_503, %sub3A_505, %div3A_484 : i32
      %jit3A_507 = arith.constant 2 : i32
      %eq3A_508 = arith.constant 0 : i32
      %eq3A_509 = arith.cmpi eq, %jit3A_507, %eq3A_508 : i32
      %jit3A_510 = arith.constant 1 : i32
      %select_n3A_511 = arith.select %eq3A_509, %jit3A_510, %jit3A_507 : i32
      %rem3A_512 = arith.remsi %select_n3A_506, %select_n3A_511 : i32
      %ne3A_513 = arith.constant 0 : i32
      %ne3A_514 = arith.cmpi ne, %rem3A_512, %ne3A_513 : i32
      %lt3A_515 = arith.constant 0 : i32
      %lt3A_516 = arith.cmpi slt, %rem3A_512, %lt3A_515 : i32
      %lt3A_517 = arith.constant 0 : i32
      %lt3A_518 = arith.cmpi slt, %select_n3A_511, %lt3A_517 : i32
      %ne3A_519 = arith.xori %lt3A_516, %lt3A_518 : i1
      %and3A_520 = arith.andi %ne3A_519, %ne3A_514 : i1
      %add3A_521 = arith.addi %rem3A_512, %select_n3A_511 : i32
      %select_n3A_522 = arith.select %and3A_520, %add3A_521, %rem3A_512 : i32
      %jit3A_523 = arith.constant 8 : i32
      %eq3A_524 = arith.constant 0 : i32
      %eq3A_525 = arith.cmpi eq, %jit3A_523, %eq3A_524 : i32
      %jit3A_526 = arith.constant 1 : i32
      %select_n3A_527 = arith.select %eq3A_525, %jit3A_526, %jit3A_523 : i32
      %rem3A_528 = arith.remsi %add3A_470, %select_n3A_527 : i32
      %ne3A_529 = arith.constant 0 : i32
      %ne3A_530 = arith.cmpi ne, %rem3A_528, %ne3A_529 : i32
      %lt3A_531 = arith.constant 0 : i32
      %lt3A_532 = arith.cmpi slt, %rem3A_528, %lt3A_531 : i32
      %lt3A_533 = arith.constant 0 : i32
      %lt3A_534 = arith.cmpi slt, %select_n3A_527, %lt3A_533 : i32
      %ne3A_535 = arith.xori %lt3A_532, %lt3A_534 : i1
      %and3A_536 = arith.andi %ne3A_535, %ne3A_530 : i1
      %add3A_537 = arith.addi %rem3A_528, %select_n3A_527 : i32
      %select_n3A_538 = arith.select %and3A_536, %add3A_537, %rem3A_528 : i32
      %dma_wait3A_539 = arith.constant 4 : i32
      %dma_wait3A_540 = arith.constant 0 : i32
      %dma_wait3A_541 = arith.constant 0 : i32
      %dma_wait3A_542 = tpu.memref_slice %arg6[%dma_wait3A_539, %dma_wait3A_540, %dma_wait3A_541] : memref<5x128x128xf32, #tpu.memory_space<vmem>> -> memref<1x128x128xf32, #tpu.memory_space<vmem>>
      %dma_wait3A_543 = tpu.memref_squeeze %dma_wait3A_542 : memref<1x128x128xf32, #tpu.memory_space<vmem>> -> memref<128x128xf32, #tpu.memory_space<vmem>>
      %dma_wait3A_544 = arith.constant 0 : i32
      %dma_wait3A_545 = tpu.memref_slice %arg5[%select_n3A_522, %select_n3A_538, %dma_wait3A_544] : memref<2x8x128xi32, #tpu.memory_space<vmem>> -> memref<1x1x128xi32, #tpu.memory_space<vmem>>
      %dma_wait3A_546 = tpu.memref_squeeze %dma_wait3A_545 : memref<1x1x128xi32, #tpu.memory_space<vmem>> -> memref<128xi32, #tpu.memory_space<vmem>>
      %dma_wait3A_547 = arith.constant 0 : i32
      %dma_wait3A_548 = arith.constant 0 : i32
      %dma_wait3A_549 = tpu.memref_slice %arg3[%dma_wait3A_547, %dma_wait3A_548] : memref<1000000x128xf32, #tpu.memory_space<hbm>> -> memref<1000000x128xf32, #tpu.memory_space<hbm>>
      tpu.wait_indirect_dma semaphore(%arg7 : memref<!tpu.dma_semaphore, #tpu.memory_space<semaphore_mem>>) src(%dma_wait3A_549 : memref<1000000x128xf32, #tpu.memory_space<hbm>>) dst(%dma_wait3A_543 : memref<128x128xf32, #tpu.memory_space<vmem>>)
      %mul3A_550 = arith.constant 128 : i32
      %mul3A_551 = arith.muli %add3A_470, %mul3A_550 : i32
      %add3A_552 = arith.addi %mul3A_4, %mul3A_551 : i32
      %dma_start3A_553 = arith.constant 4 : i32
      %dma_start3A_554 = arith.constant 0 : i32
      %dma_start3A_555 = arith.constant 0 : i32
      %dma_start3A_556 = tpu.memref_slice %arg6[%dma_start3A_553, %dma_start3A_554, %dma_start3A_555] : memref<5x128x128xf32, #tpu.memory_space<vmem>> -> memref<1x128x128xf32, #tpu.memory_space<vmem>>
      %dma_start3A_557 = tpu.memref_squeeze %dma_start3A_556 : memref<1x128x128xf32, #tpu.memory_space<vmem>> -> memref<128x128xf32, #tpu.memory_space<vmem>>
      %dma_start3A_558 = arith.constant 0 : i32
      %dma_start3A_559 = tpu.memref_slice %arg4[%add3A_552, %dma_start3A_558] : memref<819200x128xf32, #tpu.memory_space<hbm>> -> memref<128x128xf32, #tpu.memory_space<hbm>>
      %dma_start3A_560 = arith.constant 0 : i32
      %dma_start3A_561 = tpu.memref_slice %arg4[%add3A_552, %dma_start3A_560] : memref<819200x128xf32, #tpu.memory_space<hbm>> -> memref<128x128xf32, #tpu.memory_space<hbm>>
      %dma_start3A_562 = arith.constant 0 : i32
      %dma_start3A_563 = arith.constant 0 : i32
      %dma_start3A_564 = tpu.memref_slice %arg6[%dma_start3A_553, %dma_start3A_562, %dma_start3A_563] : memref<5x128x128xf32, #tpu.memory_space<vmem>> -> memref<1x128x128xf32, #tpu.memory_space<vmem>>
      %dma_start3A_565 = tpu.memref_squeeze %dma_start3A_564 : memref<1x128x128xf32, #tpu.memory_space<vmem>> -> memref<128x128xf32, #tpu.memory_space<vmem>>
      tpu.enqueue_dma source(%dma_start3A_565 : memref<128x128xf32, #tpu.memory_space<vmem>>) target(%dma_start3A_561 : memref<128x128xf32, #tpu.memory_space<hbm>>) target_semaphore(%arg8 : memref<!tpu.dma_semaphore, #tpu.memory_space<semaphore_mem>>)
      %scan3A_566 = arith.constant 0 : i32
      scf.yield %scan3A_566 : i32
    }
    %scan3A_37 = arith.constant 40 : i32
    %add3A_38 = arith.constant 25216 : i32
    %add3A_39 = arith.addi %mul3A_4, %add3A_38 : i32
    %dma_wait3A = arith.constant 2 : i32
    %dma_wait3A_40 = arith.constant 0 : i32
    %dma_wait3A_41 = arith.constant 0 : i32
    %dma_wait3A_42 = tpu.memref_slice %arg6[%dma_wait3A, %dma_wait3A_40, %dma_wait3A_41] : memref<5x128x128xf32, #tpu.memory_space<vmem>> -> memref<1x128x128xf32, #tpu.memory_space<vmem>>
    %dma_wait3A_43 = tpu.memref_squeeze %dma_wait3A_42 : memref<1x128x128xf32, #tpu.memory_space<vmem>> -> memref<128x128xf32, #tpu.memory_space<vmem>>
    %dma_wait3A_44 = arith.constant 0 : i32
    %dma_wait3A_45 = tpu.memref_slice %arg4[%add3A_39, %dma_wait3A_44] : memref<819200x128xf32, #tpu.memory_space<hbm>> -> memref<128x128xf32, #tpu.memory_space<hbm>>
    %dma_wait3A_46 = arith.constant 0 : i32
    %dma_wait3A_47 = tpu.memref_slice %arg4[%add3A_39, %dma_wait3A_46] : memref<819200x128xf32, #tpu.memory_space<hbm>> -> memref<128x128xf32, #tpu.memory_space<hbm>>
    %dma_wait3A_48 = arith.constant 0 : i32
    %dma_wait3A_49 = arith.constant 0 : i32
    %dma_wait3A_50 = tpu.memref_slice %arg6[%dma_wait3A, %dma_wait3A_48, %dma_wait3A_49] : memref<5x128x128xf32, #tpu.memory_space<vmem>> -> memref<1x128x128xf32, #tpu.memory_space<vmem>>
    %dma_wait3A_51 = tpu.memref_squeeze %dma_wait3A_50 : memref<1x128x128xf32, #tpu.memory_space<vmem>> -> memref<128x128xf32, #tpu.memory_space<vmem>>
    tpu.wait_dma2 semaphore(%arg8 : memref<!tpu.dma_semaphore, #tpu.memory_space<semaphore_mem>>) src(%dma_wait3A_51 : memref<128x128xf32, #tpu.memory_space<vmem>>) dst(%dma_wait3A_47 : memref<128x128xf32, #tpu.memory_space<hbm>>)
    %add3A_52 = arith.constant 25344 : i32
    %add3A_53 = arith.addi %mul3A_4, %add3A_52 : i32
    %dma_wait3A_54 = arith.constant 3 : i32
    %dma_wait3A_55 = arith.constant 0 : i32
    %dma_wait3A_56 = arith.constant 0 : i32
    %dma_wait3A_57 = tpu.memref_slice %arg6[%dma_wait3A_54, %dma_wait3A_55, %dma_wait3A_56] : memref<5x128x128xf32, #tpu.memory_space<vmem>> -> memref<1x128x128xf32, #tpu.memory_space<vmem>>
    %dma_wait3A_58 = tpu.memref_squeeze %dma_wait3A_57 : memref<1x128x128xf32, #tpu.memory_space<vmem>> -> memref<128x128xf32, #tpu.memory_space<vmem>>
    %dma_wait3A_59 = arith.constant 0 : i32
    %dma_wait3A_60 = tpu.memref_slice %arg4[%add3A_53, %dma_wait3A_59] : memref<819200x128xf32, #tpu.memory_space<hbm>> -> memref<128x128xf32, #tpu.memory_space<hbm>>
    %dma_wait3A_61 = arith.constant 0 : i32
    %dma_wait3A_62 = tpu.memref_slice %arg4[%add3A_53, %dma_wait3A_61] : memref<819200x128xf32, #tpu.memory_space<hbm>> -> memref<128x128xf32, #tpu.memory_space<hbm>>
    %dma_wait3A_63 = arith.constant 0 : i32
    %dma_wait3A_64 = arith.constant 0 : i32
    %dma_wait3A_65 = tpu.memref_slice %arg6[%dma_wait3A_54, %dma_wait3A_63, %dma_wait3A_64] : memref<5x128x128xf32, #tpu.memory_space<vmem>> -> memref<1x128x128xf32, #tpu.memory_space<vmem>>
    %dma_wait3A_66 = tpu.memref_squeeze %dma_wait3A_65 : memref<1x128x128xf32, #tpu.memory_space<vmem>> -> memref<128x128xf32, #tpu.memory_space<vmem>>
    tpu.wait_dma2 semaphore(%arg8 : memref<!tpu.dma_semaphore, #tpu.memory_space<semaphore_mem>>) src(%dma_wait3A_66 : memref<128x128xf32, #tpu.memory_space<vmem>>) dst(%dma_wait3A_62 : memref<128x128xf32, #tpu.memory_space<hbm>>)
    %add3A_67 = arith.constant 25472 : i32
    %add3A_68 = arith.addi %mul3A_4, %add3A_67 : i32
    %dma_wait3A_69 = arith.constant 4 : i32
    %dma_wait3A_70 = arith.constant 0 : i32
    %dma_wait3A_71 = arith.constant 0 : i32
    %dma_wait3A_72 = tpu.memref_slice %arg6[%dma_wait3A_69, %dma_wait3A_70, %dma_wait3A_71] : memref<5x128x128xf32, #tpu.memory_space<vmem>> -> memref<1x128x128xf32, #tpu.memory_space<vmem>>
    %dma_wait3A_73 = tpu.memref_squeeze %dma_wait3A_72 : memref<1x128x128xf32, #tpu.memory_space<vmem>> -> memref<128x128xf32, #tpu.memory_space<vmem>>
    %dma_wait3A_74 = arith.constant 0 : i32
    %dma_wait3A_75 = tpu.memref_slice %arg4[%add3A_68, %dma_wait3A_74] : memref<819200x128xf32, #tpu.memory_space<hbm>> -> memref<128x128xf32, #tpu.memory_space<hbm>>
    %dma_wait3A_76 = arith.constant 0 : i32
    %dma_wait3A_77 = tpu.memref_slice %arg4[%add3A_68, %dma_wait3A_76] : memref<819200x128xf32, #tpu.memory_space<hbm>> -> memref<128x128xf32, #tpu.memory_space<hbm>>
    %dma_wait3A_78 = arith.constant 0 : i32
    %dma_wait3A_79 = arith.constant 0 : i32
    %dma_wait3A_80 = tpu.memref_slice %arg6[%dma_wait3A_69, %dma_wait3A_78, %dma_wait3A_79] : memref<5x128x128xf32, #tpu.memory_space<vmem>> -> memref<1x128x128xf32, #tpu.memory_space<vmem>>
    %dma_wait3A_81 = tpu.memref_squeeze %dma_wait3A_80 : memref<1x128x128xf32, #tpu.memory_space<vmem>> -> memref<128x128xf32, #tpu.memory_space<vmem>>
    tpu.wait_dma2 semaphore(%arg8 : memref<!tpu.dma_semaphore, #tpu.memory_space<semaphore_mem>>) src(%dma_wait3A_81 : memref<128x128xf32, #tpu.memory_space<vmem>>) dst(%dma_wait3A_77 : memref<128x128xf32, #tpu.memory_space<hbm>>)
    return
  }
}

</mosaic_0001>

<sc_bundles>
// kernel: _sc_embed.3.cloned.1.call-start
scs
__scs_entry_jumppad:
0x0: {  	(pc) =	sbr.rel $0x88, $3  }
0x1: {  	(tag) =	ssettag $0x0;
	lr =	simm.s32 $0x1  }
0x2: {  	[smem:$0x3F9F] =	sst lr;
	_ =	strace $0xD0000000  }
0x3: {  	_ = 	snop  }
0x4: {  	_ = 	snop  }
0x5: {  	_ = 	snop  }
0x6: {  	_ = 	snop  }
0x7: {  	_ = 	snop  }
__scs_overlays_trampoline_lowered:
0x8: {  	[smem:$0x3FAE] =	sst s0  }
0x9: {  	[smem:$0x3FAF] =	sst s1  }
0xa: {  	[smem:$0x3FB0] =	sst s2  }
0xb: {  	[smem:$0x3FB1] =	sst s3  }
0xc: {  	[smem:$0x3FB2] =	sst s4  }
0xd: {  	[smem:$0x3FB3] =	sst s5  }
0xe: {  	[smem:$0x3FB4] =	sst s6  }
0xf: {  	[smem:$0x3FB5] =	sst s7  }
0x10: {  	[smem:$0x3FB6] =	sst s8  }
0x11: {  	[smem:$0x3FB7] =	sst s9;
	s0 =	simm.s32 @!p0 $0x0  }
0x12: {  	s1 =	sld [smem:$0x3F9D];
	s0 =	simm.s32 @p0 $0x1  }
0x13: {  	[smem:$0x3FB8] =	sst s0;
	s0 =	simm.s32 @!p1 $0x0  }
0x14: {  	s2 =	sld [smem:$0x3F9C];
	s0 =	simm.s32 @p1 $0x1  }
0x15: {  	[smem:$0x3FB9] =	sst s0;
	s0 =	simm.s32 @!p2 $0x0  }
0x16: {  	s3 =	sld [smem:$0x3FDB];
	s0 =	simm.s32 @p2 $0x1  }
0x17: {  	s4 =	simm.s32 $0x1BF5;
	[smem:$0x3FBB] =	sst s0  }
0x18: {  	s0 =	sld [smem:$0x3F9E];
	_ =	swait.ge [sflag:s4], $0x0  }
0x19: {  	s7 =	sld [smem:$0x3F9F]  }
0x1a: {  	s8 =	sadd.s32 $0xFFFFE003, lr  }
0x1b: {  	s9 =	sadd.s32 $0xFFFFFEF7, lr;
	s5 =	simm.s32 $0xFFFFFFFF;
	p2 =	slt.u32 s8, $0xFFFFF086  }
0x1c: {  	p1 =	slt.u32 s9, $0xF7A;
	s5 =	simm.s32 @!p2 $0x0  }
0x1d: {  	s5 =	simm.s32 @p1 $0x1;
	p0 =	seq.s32 s7, s2  }
0x1e: {  	s7 =	smul.u32 @!p0 $0xF7A, s2;
	p2 =	seq.s32 @!p0 s5, $0x0  }
0x1f: {  	s9 =	smul.u32 $0xF7A, s1;
	s8 =	simm.s32 @!p0 $0x1BF5;
	p2 =	por !p2, p0  }
0x20: {  	[sflag:s8] =	ssyncset.s32 @!p0 $0xFFFFF086;
	s6 =	sadd.s32 @!p0 s3, s7;
	s7 =	simm.s32 @!p0 $0x108  }
0x21: {  	s3 =	sadd.s32 s3, s9;
	s6 =	sadd.s32 @!p0 $0x88, s6;
	s7 =	simm.s32 @p2 $0x1082  }
0x22: {  	[simem:s7], [sflag:s8] =	dma.local @!p0 [hbm:s6], $0xF7A  }
0x23: {  	s9 =	sor.u32 $0xD0000000, s2;
	s6 =	simm.s32 $0x108;
	_ =	swait.ge @!p0 [sflag:s8], $0x0  }
0x24: {  	s3 =	sadd.s32 $0x88, s3;
	s6 =	simm.s32 @!p1 $0x1082;
	[sflag:s4] =	ssyncset.s32 $0xFFFFF086  }
0x25: {  	[simem:s6], [sflag:s4] =	dma.local [hbm:s3], $0xF7A  }
0x26: {  	[smem:$0x3F9F] =	sst s1;
	(tag) =	ssettag s2;
	_ =	strace s9  }
0x27: {  	s1 =	sld [smem:$0x3FAF]  }
0x28: {  	s2 =	sld [smem:$0x3FB0]  }
0x29: {  	s4 =	sld [smem:$0x3FB2]  }
0x2a: {  	p0 =	seq.s32 s5, $0x0;
	s5 =	sld [smem:$0x3FB3]  }
0x2b: {  	s6 =	sld [smem:$0x3FB4]  }
0x2c: {  	s7 =	sld [smem:$0x3FB5]  }
0x2d: {  	s3 =	simm.s32 $0x108;
	s8 =	sld [smem:$0x3FB6]  }
0x2e: {  	s3 =	simm.s32 @!p0 $0x1082;
	s9 =	sld [smem:$0x3FB7]  }
0x2f: {  	lr =	sadd.s32 s0, s3;
	s0 =	sld [smem:$0x3FAE]  }
0x30: {  	s3 =	sld [smem:$0x3FB1]  }
0x31: {  	[smem:$0x3FBA] =	sst s10  }
0x32: {  	s10 =	sld [smem:$0x3FB8];
	_ =	sdelay $0x3  }
0x33: {  	p0 =	seq.s32 s10, $0x1;
	s10 =	sld [smem:$0x3FBA];
	_ =	sdelay $0x3  }
0x34: {  	[smem:$0x3FBA] =	sst s10  }
0x35: {  	s10 =	sld [smem:$0x3FB9];
	_ =	sdelay $0x3  }
0x36: {  	p1 =	seq.s32 s10, $0x1;
	s10 =	sld [smem:$0x3FBA];
	_ =	sdelay $0x3  }
0x37: {  	[smem:$0x3FBA] =	sst s10  }
0x38: {  	s10 =	sld [smem:$0x3FBB]  }
0x39: {  	_ = 	snop;
	(pc) =	sbr.ind lr, $3  }
0x3a: {  	_ = 	snop  }
0x3b: {  	_ = 	snop  }
0x3c: {  	p2 =	seq.s32 s10, $0x1;
	s10 =	sld [smem:$0x3FBA]  }
0x3d: {  	_ =	shalt  }
0x3e: {  	_ =	shalt  }
0x3f: {  	_ =	shalt  }
0x40: {  	_ =	shalt  }
0x41: {  	_ =	shalt  }
0x42: {  	_ =	shalt  }
0x43: {  	_ =	shalt  }
0x44: {  	_ =	shalt  }
0x45: {  	_ =	shalt  }
0x46: {  	_ =	shalt  }
0x47: {  	_ =	shalt  }
0x48: {  	_ =	shalt  }
0x49: {  	_ =	shalt  }
0x4a: {  	_ =	shalt  }
0x4b: {  	_ =	shalt  }
0x4c: {  	_ =	shalt  }
0x4d: {  	_ =	shalt  }
0x4e: {  	_ =	shalt  }
0x4f: {  	_ =	shalt  }
0x50: {  	_ =	shalt  }
0x51: {  	_ =	shalt  }
0x52: {  	_ =	shalt  }
0x53: {  	_ =	shalt  }
0x54: {  	_ =	shalt  }
0x55: {  	_ =	shalt  }
0x56: {  	_ =	shalt  }
0x57: {  	_ =	shalt  }
0x58: {  	_ =	shalt  }
0x59: {  	_ =	shalt  }
0x5a: {  	_ =	shalt  }
0x5b: {  	_ =	shalt  }
0x5c: {  	_ =	shalt  }
0x5d: {  	_ =	shalt  }
0x5e: {  	_ =	shalt  }
0x5f: {  	_ =	shalt  }
0x60: {  	_ =	shalt  }
0x61: {  	_ =	shalt  }
0x62: {  	_ =	shalt  }
0x63: {  	_ =	shalt  }
0x64: {  	_ =	shalt  }
0x65: {  	_ =	shalt  }
0x66: {  	_ =	shalt  }
0x67: {  	_ =	shalt  }
0x68: {  	_ =	shalt  }
0x69: {  	_ =	shalt  }
0x6a: {  	_ =	shalt  }
0x6b: {  	_ =	shalt  }
0x6c: {  	_ =	shalt  }
0x6d: {  	_ =	shalt  }
0x6e: {  	_ =	shalt  }
0x6f: {  	_ =	shalt  }
0x70: {  	_ =	shalt  }
0x71: {  	_ =	shalt  }
0x72: {  	_ =	shalt  }
0x73: {  	_ =	shalt  }
0x74: {  	_ =	shalt  }
0x75: {  	_ =	shalt  }
0x76: {  	_ =	shalt  }
0x77: {  	_ =	shalt  }
0x78: {  	_ =	shalt  }
0x79: {  	_ =	shalt  }
0x7a: {  	_ =	shalt  }
0x7b: {  	_ =	shalt  }
0x7c: {  	_ =	shalt  }
0x7d: {  	_ =	shalt  }
0x7e: {  	_ =	shalt  }
0x7f: {  	_ =	shalt  }
0x80: {  	_ =	shalt  }
0x81: {  	_ =	shalt  }
0x82: {  	_ =	shalt  }
0x83: {  	_ =	shalt  }
0x84: {  	_ =	shalt  }
0x85: {  	_ =	shalt  }
0x86: {  	_ =	shalt  }
0x87: {  	_ =	shalt  }
.Lfunc_end0:
.L_simem_size_0:
called_computation_lowered:
.L_overlay_start_0:
0x88: {  	s2 =	sld [smem:$0x3FD9]  }
0x89: {  	s3 =	sld [smem:$0x3FFE];
	_ =	sdelay $0x1  }
0x8a: {  	s1 =	srdreg.scid  }
0x8b: {  	s0 =	sand.u32 $0x1, s1  }
0x8c: {  	s18 =	sshll.u32 s0, $0xA;
	s2 =	sadd.s32 s3, s2  }
0x8d: {  	s2 =	sadd.s32 s2, s18  }
0x8e: {  	[smem:$0x3FC6] =	sst s2  }
0x8f: {  	_ = 	snop  }
0x90: {  	s2 =	sld [smem:$0x3FC9]  }
0x91: {  	s19 =	sld [smem:$0x3FC8]  }
0x92: {  	s4 =	sld [smem:$0x3FD0];
	(tm) =	ssettm $0x1  }
0x93: {  	s5 =	sld [smem:$0x3FFB];
	_ =	sdelay $0x3  }
0x94: {  	_ =	strace s5  }
0x95: {  	s5 =	sld [smem:$0x3FFC];
	_ =	sdelay $0x3  }
0x96: {  	_ =	strace s5  }
0x97: {  	s5 =	sld [smem:$0x3FFD];
	_ =	sdelay $0x3  }
0x98: {  	_ =	strace s5  }
0x99: {  	_ =	strace $0x8FFFFFFF  }
0x9a: {  	s20 =	sld [smem:$0x3FDB];
	_ =	sdelay $0x1  }
0x9b: {  	s6 =	simm.s32 $_scs_section_size  }
0x9c: {  	s7 =	simm.s32 $_size__tile_overlayer_lowered;
	s8 =	simm.s32 $_tile_overlayer_lowered  }
0x9d: {  	s23 =	simm.s32 $0x1BFF;
	s22 =	sshll.u32 s8, $0x1;
	s5 =	sadd.s32 s6, s20  }
0x9e: {  	s9 =	simm.s32 $0x0;
	s21 =	sshll.u32 s7, $0x1;
	s7 =	sadd.s32 s22, s5  }
0x9f: {  	[timem:s9], [sflag:s23] =	dma.local [hbm:s7], s21  }
0xa0: {  	_ =	swait.ge [sflag:s23], s21  }
0xa1: {  	s6 =	ssub.s32 $0x0, s21;
	[sflag:s23] =	ssyncset.done $0x0  }
0xa2: {  	[sflag:s23] =	ssyncadd.s32 s6;
	_ =	sdelay $0x1  }
0xa3: {  	s24 =	simm.s32 $0x1B8B  }
0xa4: {  	_ =	swait.ge [sflag:s24], $0x1  }
0xa5: {  	[sflag:s24] =	ssyncset.done $0x0  }
0xa6: {  	s25 =	simm.s32 $0x1B8E;
	[sflag:s24] =	ssyncadd.s32 $0xFFFFFFFF  }
0xa7: {  	s26 =	simm.s32 $execute0_lowered;
	[smem:$0x3FD2] =	sst s25  }
0xa8: {  	s6 =	sshll.u32 s26, $0x1;
	_ =	strace $0x80000046;
	[dreg:$0x1] =	wrdreg $0xFFFFFFFF  }
0xa9: {  	s28 =	simm.s32 $_size_execute0_lowered;
	s5 =	sadd.s32 s5, s6;
	[dreg:$0x0] =	wrdreg $0x0  }
0xaa: {  	s6 =	sshll.u32 s28, $0x1;
	[dreg:$0x2] =	wrdreg s5  }
0xab: {  	[dreg:$0x3] =	wrdreg s6  }
0xac: {  	[dreg:$0x4] =	wrdreg $0xC0  }
0xad: {  	_ =	task [dreg:s9], $0x5FFFF  }
0xae: {  	[dreg:$0x1] =	wrdreg $0xFFFFFFFF  }
0xaf: {  	[dreg:$0x0] =	wrdreg $0x60  }
0xb0: {  	[dreg:$0x2] =	wrdreg s2  }
0xb1: {  	[dreg:$0x3] =	wrdreg s19  }
0xb2: {  	[dreg:$0x4] =	wrdreg s4  }
0xb3: {  	[dreg:$0x5] =	wrdreg $0x9  }
0xb4: {  	_ =	task.clear_ibuf [dreg:s9], $0x6FFFF;
	_ =	strace $0x90000046  }
0xb5: {  	s29 =	simm.s32 $0x9;
	_ =	strace $0x80000048  }
0xb6: {  	_ =	swait.ge [sflag:s29], $0x1  }
0xb7: {  	[sflag:s29] =	ssyncadd.s32 $0xFFFFFFFF  }
0xb8: {  	_ =	strace $0x90000048  }
0xb9: {  	_ =	sfence  }
0xba: {  	s30 =	sld [smem:$0x0];
	_ =	sdelay $0x2  }
0xbb: {  	s31 =	sshll.u32 s1, $0xD;
	s1 =	sshrl.u32 s1, $0x2  }
0xbc: {  	s3 =	sand.u32 $0x4000, s31;
	s1 =	sadd.s32 s1, s30  }
0xbd: {  	s0 =	sor.u32 s3, s0;
	s1 =	sshll.u32 s1, $0x11  }
0xbe: {  	s0 =	sor.u32 s1, s0  }
0xbf: {  	s0 =	sadd.s32 $0x8F2B, s0  }
0xc0: {  	[sflag:s0] =	ssyncadd.remote.s32 $0x1  }
0xc1: {  	_ =	sfence.sel $0xFFFF  }
0xc2: {  	[dreg:$0x0] =	wrdreg $0xFFFFFFFF;
	(pc) =	sbr.abs _section_cstart, $3  }
0xc3: {  	[dreg:$0x1] =	wrdreg $0xFFFFFFFF  }
0xc4: {  	_ =	task.clear_ibuf [dreg:s9], $0x2FFFF;
	_ =	strace $0x9FFFFFFF  }
0xc5: {  	(tm) =	ssettm $0x7FFFFFFF  }
tec
execute0_lowered:
.L_overlay_start_1:
0x0: {  	(tag) =	ssettag $0x1  }
0x1: {  	s1 =	srdreg.scid  }
0x2: {  	s0 =	stileid.u32;
	s2 =	rddreg [dreg:$0x0]  }
0x3: {  	s4 =	rddreg [dreg:$0x2];
	s6 =	simm.s32 $0x0;
	s13 =	simm.s32 $0x80  }
0x4: {  	s14 =	simm.s32 $0x800;
	s15 =	simm.s32 $0x4800;
	s16 =	simm.s32 $0x2  }
0x5: {  	s17 =	simm.s32 $0x8800;
	s18 =	simm.s32 $0x1;
	s19 =	simm.s32 $0xC800  }
0x6: {  	s20 =	simm.s32 $0x10800;
	s1 =	sand.u32 $0x1, s1;
	s9 =	smul.u32 $0x640000, s0  }
0x7: {  	s3 =	sshll.u32 s0, $0x1;
	[smem:$0x7FF] =	sst s6;
	s25 =	smul.u32 $0xC8000, s0  }
0x8: {  	s7 =	sor.u32 s1, s3;
	s3 =	rddreg [dreg:$0x1];
	s11 =	smul.u32 $0x320000, s1  }
0x9: {  	s10 =	ssub.s32 $0x2, s1;
	_ =	strace $0x80000047;
	s1 =	smul.u32 $0x64000, s1  }
0xa: {  	s8 =	smul.u32 $0xC80, s7;
	s12 =	sshrl.u32 s10, $0x1;
	s29 =	sadd.s32 s25, s4  }
0xb: {  	s10 =	ssub.s32 s10, s12;
	s9 =	sadd.s32 s11, s9;
	s30 =	sadd.s32 s1, s29  }
0xc: {  	s26 =	sadd.s32 s2, s8;
	s11 =	sor.u32 $0x4000, s9;
	[dreg:$0x6] =	wrdreg s30  }
0xd: {  	s28 =	smax.u32 s10, $0x1;
	[dreg:$0x4] =	wrdreg s26;
	s11 =	sshrl.u32 s11, $0x3  }
0xe: {  	s5 =	smul.u32 $0x19, s7;
	[dreg:$0x5] =	wrdreg s28;
	s31 =	sadd.s32 s11, s4  }
0xf: {  	s7 =	smul.u32 $0x320000, s7;
	s1 =	simm.s32 $0x0;
	[dreg:$0x7] =	wrdreg s31  }
.LBB2_1:
0x10: {  	[dreg:$0x8] =	wrdreg s1  }
0x11: {  	s0 =	rddreg [dreg:$0x4];
	p1 =	por $0x1, $0x1  }
0x12: {  	[tilespmem:s6], [sflag:$0x3] =	stream.linear.gather [hbm4b:s0+s6], $0x400, $0x38;
	[tilespmem:$0x14800] =	vst v63  }
0x13: {  	s11 =	simm.s32 $0x3;
	s22 =	simm.s32 @!p1 $0x2;
	s23 =	simm.s32 @!p1 $0x3  }
0x14: {  	s1 =	simm.s32 @!p1 $0x2;
	_ =	swait.ge [sflag:s11], $0x400;
	s24 =	sand.u32 @!p1 $0x7, s22  }
0x15: {  	s22 =	simm.s32 @p1 $0x2;
	s25 =	sand.u32 @!p1 $0x7, s23;
	s23 =	simm.s32 @p1 $0x3  }
0x16: {  	[sflag:s11] =	ssyncset.done $0x0;
	p2 =	sne.s32 @!p1 s24, $0x0;
	s12 =	sshll.u32 s22, $0x7  }
0x17: {  	s22 =	sshll.u32 s22, $0xE;
	[sflag:s11] =	ssyncadd.s32 $0xFFFFFC00;
	p0 =	por p2, p1  }
0x18: {  	[tilespmem:s14], [sflag:$0x1] =	stream.indirect.gather [hbm4b:s3+s13], $0x80, s6, s13, $0xb8;
	[tilespmem:$0x14800] =	vst v63  }
0x19: {  	p2 =	por !p2, p1;
	s22 =	sadd.s32 s7, s22;
	s26 =	sadd.s32 @!p0 $0x0, s5  }
0x1a: {  	s28 =	simm.s32 @!p0 $0x100;
	s29 =	simm.s32 @!p0 $0x0;
	s24 =	simm.s32 @p2 $0x0  }
0x1b: {  	[tilespmem:s15], [sflag:$0x1] =	stream.indirect.gather [hbm4b:s3+s13], $0x80, s13, s13, $0xb8;
	[tilespmem:$0x14800] =	vst v63  }
0x1c: {  	p2 =	sne.s32 @!p1 s25, $0x0;
	s26 =	sshll.u32 @!p0 s26, $0x7;
	_ =	swait.ge @!p1 [sflag:s1], $0x4000  }
0x1d: {  	s22 =	sshrl.u32 s22, $0x3;
	s26 =	sand.u32 @!p0 $0x1FFFFF80, s26;
	[sflag:s1] =	ssyncset.done @!p1 $0x0  }
0x1e: {  	s28 =	sand.u32 @!p0 $0x400, s28;
	s26 =	sadd.s32 @!p0 s2, s26;
	[sflag:s1] =	ssyncadd.s32 @!p1 $0xFFFFC000  }
0x1f: {  	[tilespmem:s28], [sflag:$0x3] =	stream.linear.gather @!p0 [hbm4b:s26+s29], $0x400, $0x38;
	[tilespmem:$0x14800] =	vst v63  }
0x20: {  	s24 =	simm.s32 @p1 $0x2;
	p3 =	por !p2, p1;
	s28 =	simm.s32 @!p0 $0x3  }
0x21: {  	s22 =	sadd.s32 s4, s22;
	s24 =	sshll.u32 s24, $0x7;
	_ =	swait.ge @!p0 [sflag:s28], $0x400  }
0x22: {  	s25 =	simm.s32 @p3 $0x0;
	s26 =	sand.u32 $0x400, s12;
	[sflag:s28] =	ssyncset.done @!p0 $0x0  }
0x23: {  	s25 =	simm.s32 @p1 $0x3;
	s24 =	sor.u32 s24, s26;
	[sflag:s28] =	ssyncadd.s32 @!p0 $0xFFFFFC00  }
0x24: {  	[tilespmem:s17], [sflag:$0x1] =	stream.indirect.gather [hbm4b:s3+s13], $0x80, s24, s13, $0xb8;
	[tilespmem:$0x14800] =	vst v63  }
0x25: {  	s25 =	sshll.u32 s25, $0x7;
	p0 =	por p2, p1;
	_ =	swait.ge [sflag:s18], $0x4000  }
0x26: {  	s24 =	simm.s32 @!p1 $0x4;
	s26 =	sadd.s32 @!p0 $0x0, s5;
	[sflag:s18] =	ssyncset.done $0x0  }
0x27: {  	s28 =	simm.s32 @!p0 $0x180;
	s21 =	rddreg [dreg:$0x6];
	[sflag:s18] =	ssyncadd.s32 $0xFFFFC000  }
0x28: {  	[hbm4b:s21+s6] =	stream.linear.scatter [tilespmem:s14], [sflag:$0x2], $0x4000, $0x38;
	[tilespmem:$0x14800] =	vst v63  }
0x29: {  	s29 =	simm.s32 @!p0 $0x0;
	s26 =	sshll.u32 @!p0 s26, $0x7;
	_ =	swait.ge @!p1 [sflag:s1], $0x4000  }
0x2a: {  	s30 =	simm.s32 @!p0 $0x3;
	s26 =	sand.u32 @!p0 $0x1FFFFF80, s26;
	[sflag:s1] =	ssyncset.done @!p1 $0x0  }
0x2b: {  	s28 =	sand.u32 @!p0 $0x400, s28;
	s26 =	sadd.s32 @!p0 s2, s26;
	[sflag:s1] =	ssyncadd.s32 @!p1 $0xFFFFC000  }
0x2c: {  	[tilespmem:s28], [sflag:$0x3] =	stream.linear.gather @!p0 [hbm4b:s26+s29], $0x400, $0x38;
	[tilespmem:$0x14800] =	vst v63  }
0x2d: {  	s26 =	sand.u32 @!p1 $0x7, s24;
	s28 =	sshll.u32 s23, $0x7;
	s24 =	simm.s32 @p1 $0x4  }
0x2e: {  	s23 =	sshll.u32 s23, $0xE;
	_ =	swait.ge @!p0 [sflag:s30], $0x400;
	p2 =	sne.s32 @!p1 s26, $0x0  }
0x2f: {  	s28 =	sand.u32 $0x400, s28;
	s23 =	sadd.s32 s7, s23;
	[sflag:s30] =	ssyncset.done @!p0 $0x0  }
0x30: {  	p3 =	por !p2, p1;
	s25 =	sor.u32 s25, s28;
	[sflag:s30] =	ssyncadd.s32 @!p0 $0xFFFFFC00  }
0x31: {  	[tilespmem:s19], [sflag:$0x1] =	stream.indirect.gather [hbm4b:s3+s13], $0x80, s25, s13, $0xb8;
	[tilespmem:$0x14800] =	vst v63  }
0x32: {  	p2 =	por p2, p1;
	s23 =	sshrl.u32 s23, $0x3;
	_ =	swait.ge [sflag:s18], $0x4000  }
0x33: {  	s26 =	simm.s32 @p3 $0x0;
	s28 =	sadd.s32 @!p2 $0x0, s5;
	[sflag:s18] =	ssyncset.done $0x0  }
0x34: {  	s29 =	simm.s32 @!p2 $0x0;
	s8 =	rddreg [dreg:$0x7];
	[sflag:s18] =	ssyncadd.s32 $0xFFFFC000  }
0x35: {  	[hbm4b:s8+s6] =	stream.linear.scatter [tilespmem:s15], [sflag:$0x2], $0x4000, $0x38;
	[tilespmem:$0x14800] =	vst v63  }
0x36: {  	s25 =	simm.s32 @!p2 $0x200;
	s28 =	sshll.u32 @!p2 s28, $0x7;
	_ =	swait.ge @!p1 [sflag:s1], $0x4000  }
0x37: {  	s25 =	sand.u32 @!p2 $0x400, s25;
	s28 =	sand.u32 @!p2 $0x1FFFFF80, s28;
	[sflag:s1] =	ssyncset.done @!p1 $0x0  }
0x38: {  	[sflag:s1] =	ssyncadd.s32 @!p1 $0xFFFFC000;
	s1 =	sadd.s32 @!p2 s2, s28;
	s28 =	simm.s32 @!p2 $0x3  }
0x39: {  	[tilespmem:s25], [sflag:$0x3] =	stream.linear.gather @!p2 [hbm4b:s1+s29], $0x400, $0x38;
	[tilespmem:$0x14800] =	vst v63  }
0x3a: {  	s26 =	simm.s32 @p1 $0x4;
	s25 =	sshll.u32 s24, $0x7;
	_ =	swait.ge @!p2 [sflag:s28], $0x400  }
0x3b: {  	s26 =	sshll.u32 s26, $0x7;
	s1 =	sand.u32 $0x400, s25;
	[sflag:s28] =	ssyncset.done @!p2 $0x0  }
0x3c: {  	p0 =	por $0x0, $0x0;
	s1 =	sor.u32 s26, s1;
	[sflag:s28] =	ssyncadd.s32 @!p2 $0xFFFFFC00  }
0x3d: {  	[tilespmem:s20], [sflag:$0x1] =	stream.indirect.gather [hbm4b:s3+s13], $0x80, s1, s13, $0xb8;
	[tilespmem:$0x14800] =	vst v63  }
0x3e: {  	s23 =	sadd.s32 s4, s23;
	s24 =	sshll.u32 s24, $0xE;
	s1 =	simm.s32 $0x5  }
0x3f: {  	s25 =	simm.s32 $0x300;
	_ =	swait.ge [sflag:s18], $0x4000;
	s1 =	sand.u32 @!p0 $0x7, s1  }
0x40: {  	s31 =	sadd.s32 s7, s24;
	[sflag:s18] =	ssyncset.done $0x0;
	p2 =	seq.s32 @!p0 s1, $0x0  }
0x41: {  	s26 =	simm.s32 $0x6;
	[sflag:s18] =	ssyncadd.s32 $0xFFFFC000;
	p1 =	por !p2, p0  }
0x42: {  	[hbm4b:s22+s6] =	stream.linear.scatter [tilespmem:s17], [sflag:$0x2], $0x4000, $0x38;
	[tilespmem:$0x14800] =	vst v63  }
0x43: {  	s24 =	sand.u32 @!p0 $0x7, s26;
	p2 =	por p2, p0;
	s22 =	sadd.s32 @!p1 $0x0, s5  }
0x44: {  	s28 =	simm.s32 @!p1 $0x280;
	_ =	swait.ge [sflag:s16], $0x4000;
	s22 =	sshll.u32 @!p1 s22, $0x7  }
0x45: {  	s29 =	simm.s32 @!p1 $0x0;
	[sflag:s16] =	ssyncset.done $0x0;
	s22 =	sand.u32 @!p1 $0x1FFFFF80, s22  }
0x46: {  	s28 =	sand.u32 @!p1 $0x400, s28;
	[sflag:s16] =	ssyncadd.s32 $0xFFFFC000;
	s22 =	sadd.s32 @!p1 s2, s22  }
0x47: {  	[tilespmem:s28], [sflag:$0x3] =	stream.linear.gather @!p1 [hbm4b:s22+s29], $0x400, $0x38;
	[tilespmem:$0x14800] =	vst v63  }
0x48: {  	s1 =	sshll.u32 @!p0 s1, $0x7;
	s30 =	simm.s32 @!p1 $0x3;
	s29 =	simm.s32 @!p2 $0x280  }
0x49: {  	s22 =	simm.s32 $0x580;
	s29 =	sand.u32 @!p2 $0x400, s29;
	_ =	swait.ge @!p1 [sflag:s30], $0x400  }
0x4a: {  	s28 =	smov.u32 @p1 s29;
	s29 =	simm.s32 @!p0 $0x80;
	[sflag:s30] =	ssyncset.done @!p1 $0x0  }
0x4b: {  	[sflag:s30] =	ssyncadd.s32 @!p1 $0xFFFFFC00;
	s30 =	simm.s32 @!p0 $0x800;
	s1 =	sadd.s32 @!p0 s1, s28  }
0x4c: {  	[tilespmem:s30], [sflag:$0x1] =	stream.indirect.gather @!p0 [hbm4b:s3+s29], $0x80, s1, s29, $0xb8;
	[tilespmem:$0x14800] =	vst v63  }
0x4d: {  	p1 =	seq.s32 @!p0 s24, $0x0;
	s28 =	sshrl.u32 s31, $0x3;
	_ =	swait.ge [sflag:s18], $0x4000  }
0x4e: {  	p2 =	por !p1, p0;
	p1 =	por p1, p0;
	[sflag:s18] =	ssyncset.done $0x0  }
0x4f: {  	s1 =	sadd.s32 @!p2 $0x0, s5;
	s30 =	sand.u32 @!p1 $0x400, s25;
	[sflag:s18] =	ssyncadd.s32 $0xFFFFC000  }
0x50: {  	[hbm4b:s23+s6] =	stream.linear.scatter [tilespmem:s19], [sflag:$0x2], $0x4000, $0x38;
	[tilespmem:$0x14800] =	vst v63  }
0x51: {  	s25 =	sand.u32 @!p2 $0x400, s25;
	s1 =	sshll.u32 @!p2 s1, $0x7;
	_ =	swait.ge [sflag:s16], $0x4000  }
0x52: {  	s26 =	simm.s32 @!p2 $0x3;
	s1 =	sand.u32 @!p2 $0x1FFFFF80, s1;
	[sflag:s16] =	ssyncset.done $0x0  }
0x53: {  	s23 =	simm.s32 @!p2 $0x0;
	s1 =	sadd.s32 @!p2 s2, s1;
	[sflag:s16] =	ssyncadd.s32 $0xFFFFC000  }
0x54: {  	[tilespmem:s25], [sflag:$0x3] =	stream.linear.gather @!p2 [hbm4b:s1+s23], $0x400, $0x38;
	[tilespmem:$0x14800] =	vst v63  }
0x55: {  	s23 =	sadd.s32 $0x2800, s8;
	s25 =	smov.u32 @p2 s30;
	s1 =	sshll.u32 @!p0 s24, $0x7  }
0x56: {  	s24 =	simm.s32 $0xB;
	s30 =	simm.s32 @!p0 $0x4800;
	_ =	swait.ge @!p2 [sflag:s26], $0x400  }
0x57: {  	s1 =	sadd.s32 @!p0 s1, s25;
	s25 =	smov.u32 s21;
	[sflag:s26] =	ssyncset.done @!p2 $0x0  }
.LBB2_2:
0x58: {  	[sflag:s26] =	ssyncadd.s32 @!p2 $0xFFFFFC00  }
0x59: {  	s25 =	sadd.s32 $0x2800, s25;
	s26 =	smov.u32 s22;
	s22 =	sadd.s32 $0x280, s22  }
0x5a: {  	[tilespmem:s30], [sflag:$0x1] =	stream.indirect.gather @!p0 [hbm4b:s3+s29], $0x80, s1, s29, $0xb8;
	[tilespmem:$0x14800] =	vst v63  }
0x5b: {  	p1 =	sne.s32 s22, $0x6700;
	_ =	swait.ge [sflag:s18], $0x4000  }
0x5c: {  	p0 =	seq.s32 s26, $0x6480;
	s1 =	sadd.s32 s4, s28;
	[sflag:s18] =	ssyncset.done $0x0  }
0x5d: {  	p2 =	seq.s32 s26, $0x300;
	s28 =	sadd.s32 $0xFFFFFFFF, s24;
	[sflag:s18] =	ssyncadd.s32 $0xFFFFC000  }
0x5e: {  	[hbm4b:s1+s6] =	stream.linear.scatter [tilespmem:s20], [sflag:$0x2], $0x4000, $0x38;
	[tilespmem:$0x14800] =	vst v63  }
0x5f: {  	s0 =	sadd.s32 @!p2 $0xFFFFFFFD, s24;
	s1 =	sadd.s32 @!p2 $0xFFFFFFFC, s24  }
0x60: {  	s30 =	sadd.s32 @!p2 $0xFFFFFFFE, s24;
	s31 =	simm.s32 @!p2 $0x2;
	s29 =	smov.u32 s1  }
0x61: {  	s9 =	sand.u32 @!p2 $0x7, s0;
	s8 =	sand.u32 @!p2 $0x7, s1;
	s29 =	simm.s32 @p2 $0x2  }
0x62: {  	p3 =	sne.s32 @!p2 s9, $0x0;
	p5 =	sne.s32 @!p2 s8, $0x0;
	s12 =	sshll.u32 s29, $0x7  }
0x63: {  	p4 =	por p5, p2;
	p6 =	por !p5, p2;
	p5 =	por !p3, p2  }
0x64: {  	s1 =	sshrl.u32 @!p4 s1, $0x3;
	s11 =	sadd.s32 @!p4 $0xFFFFFE00, s26;
	s8 =	simm.s32 @p6 $0x0  }
0x65: {  	p3 =	por p3, p2;
	s1 =	sadd.s32 @!p4 s5, s1;
	s11 =	sand.u32 @!p4 $0x400, s11  }
0x66: {  	s8 =	simm.s32 @p2 $0x2;
	s1 =	sshll.u32 @!p4 s1, $0x7;
	_ =	swait.ge @!p2 [sflag:s31], $0x4000  }
0x67: {  	s10 =	simm.s32 @!p4 $0x3;
	s1 =	sand.u32 @!p4 $0x1FFFFF80, s1;
	[sflag:s31] =	ssyncset.done @!p2 $0x0  }
0x68: {  	s21 =	simm.s32 @!p4 $0x0;
	s1 =	sadd.s32 @!p4 s2, s1;
	[sflag:s31] =	ssyncadd.s32 @!p2 $0xFFFFC000  }
0x69: {  	[tilespmem:s11], [sflag:$0x3] =	stream.linear.gather @!p4 [hbm4b:s1+s21], $0x400, $0x38;
	[tilespmem:$0x14800] =	vst v63  }
0x6a: {  	s9 =	simm.s32 @p5 $0x0;
	s1 =	sshll.u32 s8, $0x7;
	_ =	swait.ge @!p4 [sflag:s10], $0x400  }
0x6b: {  	s9 =	simm.s32 @p2 $0x3;
	s8 =	sand.u32 $0x400, s12;
	[sflag:s10] =	ssyncset.done @!p4 $0x0  }
0x6c: {  	s1 =	sor.u32 s1, s8;
	s8 =	sshll.u32 s9, $0x7;
	[sflag:s10] =	ssyncadd.s32 @!p4 $0xFFFFFC00  }
0x6d: {  	[tilespmem:s17], [sflag:$0x1] =	stream.indirect.gather [hbm4b:s3+s13], $0x80, s1, s13, $0xb8;
	[tilespmem:$0x14800] =	vst v63  }
0x6e: {  	s11 =	sadd.s32 @!p3 $0xFFFFFE80, s26;
	s12 =	simm.s32 @!p3 $0x0;
	s1 =	smov.u32 s0  }
0x6f: {  	s9 =	sand.u32 @!p2 $0x7, s30;
	_ =	swait.ge [sflag:s18], $0x4000;
	s1 =	simm.s32 @p2 $0x3  }
0x70: {  	s21 =	simm.s32 @!p3 $0x3;
	[sflag:s18] =	ssyncset.done $0x0;
	s10 =	sshll.u32 s1, $0x7  }
0x71: {  	s11 =	sand.u32 @!p3 $0x400, s11;
	s0 =	sshrl.u32 @!p3 s0, $0x3;
	[sflag:s18] =	ssyncadd.s32 $0xFFFFC000  }
0x72: {  	[hbm4b:s25+s6] =	stream.linear.scatter [tilespmem:s14], [sflag:$0x2], $0x4000, $0x38;
	[tilespmem:$0x14800] =	vst v63  }
0x73: {  	p4 =	sne.s32 @!p2 s9, $0x0;
	s0 =	sadd.s32 @!p3 s5, s0;
	_ =	swait.ge @!p2 [sflag:s31], $0x4000  }
0x74: {  	p5 =	por !p4, p2;
	s0 =	sshll.u32 @!p3 s0, $0x7;
	[sflag:s31] =	ssyncset.done @!p2 $0x0  }
0x75: {  	s9 =	simm.s32 @p5 $0x0;
	s0 =	sand.u32 @!p3 $0x1FFFFF80, s0;
	[sflag:s31] =	ssyncadd.s32 @!p2 $0xFFFFC000  }
0x76: {  	s9 =	simm.s32 @p2 $0x4;
	s1 =	sshll.u32 s1, $0xE;
	s0 =	sadd.s32 @!p3 s2, s0  }
0x77: {  	[tilespmem:s11], [sflag:$0x3] =	stream.linear.gather @!p3 [hbm4b:s0+s12], $0x400, $0x38;
	[tilespmem:$0x14800] =	vst v63  }
0x78: {  	s9 =	sshll.u32 s9, $0x7;
	s0 =	sand.u32 $0x400, s10;
	_ =	swait.ge @!p3 [sflag:s21], $0x400  }
0x79: {  	s0 =	sor.u32 s8, s0;
	s8 =	smov.u32 s30;
	[sflag:s21] =	ssyncset.done @!p3 $0x0  }
0x7a: {  	s12 =	sshll.u32 s29, $0xE;
	s8 =	simm.s32 @p2 $0x4;
	[sflag:s21] =	ssyncadd.s32 @!p3 $0xFFFFFC00  }
0x7b: {  	[tilespmem:s19], [sflag:$0x1] =	stream.indirect.gather [hbm4b:s3+s13], $0x80, s0, s13, $0xb8;
	[tilespmem:$0x14800] =	vst v63  }
0x7c: {  	p3 =	por p4, p2;
	s0 =	sshll.u32 s8, $0x7;
	_ =	swait.ge [sflag:s18], $0x4000  }
0x7d: {  	s10 =	sshrl.u32 @!p3 s30, $0x3;
	s11 =	sadd.s32 @!p3 $0xFFFFFF00, s26;
	[sflag:s18] =	ssyncset.done $0x0  }
0x7e: {  	s10 =	sadd.s32 @!p3 s5, s10;
	s11 =	sand.u32 @!p3 $0x400, s11;
	[sflag:s18] =	ssyncadd.s32 $0xFFFFC000  }
0x7f: {  	[hbm4b:s23+s6] =	stream.linear.scatter [tilespmem:s15], [sflag:$0x2], $0x4000, $0x38;
	[tilespmem:$0x14800] =	vst v63  }
0x80: {  	s21 =	simm.s32 @!p3 $0x0;
	s10 =	sshll.u32 @!p3 s10, $0x7;
	_ =	swait.ge @!p2 [sflag:s31], $0x4000  }
0x81: {  	s29 =	simm.s32 @!p3 $0x3;
	s10 =	sand.u32 @!p3 $0x1FFFFF80, s10;
	[sflag:s31] =	ssyncset.done @!p2 $0x0  }
0x82: {  	s0 =	sand.u32 $0x400, s0;
	s10 =	sadd.s32 @!p3 s2, s10;
	[sflag:s31] =	ssyncadd.s32 @!p2 $0xFFFFC000  }
0x83: {  	[tilespmem:s11], [sflag:$0x3] =	stream.linear.gather @!p3 [hbm4b:s10+s21], $0x400, $0x38;
	[tilespmem:$0x14800] =	vst v63  }
0x84: {  	s0 =	sor.u32 s9, s0;
	s10 =	sadd.s32 s7, s12;
	_ =	swait.ge @!p3 [sflag:s29], $0x400  }
0x85: {  	s9 =	sshrl.u32 s10, $0x3;
	s10 =	sand.u32 @!p0 $0x7, s28;
	[sflag:s29] =	ssyncset.done @!p3 $0x0  }
0x86: {  	s8 =	sshll.u32 s8, $0xE;
	p2 =	seq.s32 @!p0 s10, $0x0;
	[sflag:s29] =	ssyncadd.s32 @!p3 $0xFFFFFC00  }
0x87: {  	[tilespmem:s20], [sflag:$0x1] =	stream.indirect.gather [hbm4b:s3+s13], $0x80, s0, s13, $0xb8;
	[tilespmem:$0x14800] =	vst v63  }
0x88: {  	p3 =	por p2, p0;
	s0 =	sadd.s32 s7, s1;
	_ =	swait.ge [sflag:s18], $0x4000  }
0x89: {  	p2 =	por !p2, p0;
	s1 =	sadd.s32 s4, s9;
	[sflag:s18] =	ssyncset.done $0x0  }
0x8a: {  	s29 =	simm.s32 @!p0 $0x80;
	s9 =	sadd.s32 @!p3 $0xFFFFFF80, s26;
	[sflag:s18] =	ssyncadd.s32 $0xFFFFC000  }
0x8b: {  	[hbm4b:s1+s6] =	stream.linear.scatter [tilespmem:s17], [sflag:$0x2], $0x4000, $0x38;
	[tilespmem:$0x14800] =	vst v63  }
0x8c: {  	s11 =	sadd.s32 @!p2 $0xFFFFFF80, s26;
	s9 =	sand.u32 @!p3 $0x400, s9;
	s1 =	sadd.s32 s7, s8  }
0x8d: {  	s11 =	sand.u32 @!p2 $0x400, s11;
	s8 =	sshrl.u32 @!p2 s28, $0x3;
	s28 =	sshrl.u32 s1, $0x3  }
0x8e: {  	s12 =	smov.u32 s11;
	s8 =	sadd.s32 @!p2 s5, s8;
	s1 =	sand.u32 @!p0 $0x7, s24  }
0x8f: {  	s12 =	smov.u32 @p2 s9;
	s8 =	sshll.u32 @!p2 s8, $0x7;
	_ =	swait.ge [sflag:s16], $0x4000  }
0x90: {  	s9 =	simm.s32 @!p2 $0x3;
	s8 =	sand.u32 @!p2 $0x1FFFFF80, s8;
	[sflag:s16] =	ssyncset.done $0x0  }
0x91: {  	s21 =	simm.s32 @!p2 $0x0;
	s8 =	sadd.s32 @!p2 s2, s8;
	[sflag:s16] =	ssyncadd.s32 $0xFFFFC000  }
0x92: {  	[tilespmem:s11], [sflag:$0x3] =	stream.linear.gather @!p2 [hbm4b:s8+s21], $0x400, $0x38;
	[tilespmem:$0x14800] =	vst v63  }
0x93: {  	s0 =	sshrl.u32 s0, $0x3;
	s8 =	simm.s32 @!p0 $0x800;
	_ =	swait.ge @!p2 [sflag:s9], $0x400  }
0x94: {  	s10 =	sshll.u32 @!p0 s10, $0x7;
	s0 =	sadd.s32 s4, s0;
	[sflag:s9] =	ssyncset.done @!p2 $0x0  }
0x95: {  	p3 =	seq.s32 @!p0 s1, $0x0;
	[sflag:s9] =	ssyncadd.s32 @!p2 $0xFFFFFC00;
	s9 =	sadd.s32 @!p0 s10, s12  }
0x96: {  	[tilespmem:s8], [sflag:$0x1] =	stream.indirect.gather @!p0 [hbm4b:s3+s29], $0x80, s9, s29, $0xb8;
	[tilespmem:$0x14800] =	vst v63  }
0x97: {  	s23 =	sadd.s32 $0x2800, s23;
	p2 =	por !p3, p0;
	_ =	swait.ge [sflag:s18], $0x4000  }
0x98: {  	p3 =	por p3, p0;
	s8 =	sshrl.u32 @!p2 s24, $0x3;
	[sflag:s18] =	ssyncset.done $0x0  }
0x99: {  	s9 =	sand.u32 @!p3 $0x400, s26;
	s10 =	sand.u32 @!p2 $0x400, s26;
	[sflag:s18] =	ssyncadd.s32 $0xFFFFC000  }
0x9a: {  	[hbm4b:s0+s6] =	stream.linear.scatter [tilespmem:s19], [sflag:$0x2], $0x4000, $0x38;
	[tilespmem:$0x14800] =	vst v63  }
0x9b: {  	s0 =	sadd.s32 @!p2 s5, s8;
	s8 =	simm.s32 @!p2 $0x0;
	_ =	swait.ge [sflag:s16], $0x4000  }
0x9c: {  	s11 =	smov.u32 s10;
	s0 =	sshll.u32 @!p2 s0, $0x7;
	[sflag:s16] =	ssyncset.done $0x0  }
.Ltmp0:
0x9d: {  	s0 =	sand.u32 @!p2 $0x1FFFFF80, s0;
	[sflag:s16] =	ssyncadd.s32 $0xFFFFC000;
	(pc) =	sbr.rel @p1 .LBB2_2-.Ltmp0, $4  }
0x9e: {  	s26 =	simm.s32 @!p2 $0x3;
	s11 =	smov.u32 @p2 s9;
	s0 =	sadd.s32 @!p2 s2, s0  }
0x9f: {  	[tilespmem:s10], [sflag:$0x3] =	stream.linear.gather @!p2 [hbm4b:s0+s8], $0x400, $0x38;
	[tilespmem:$0x14800] =	vst v63  }
0xa0: {  	s24 =	sadd.s32 $0x5, s24;
	s0 =	sshll.u32 @!p0 s1, $0x7;
	_ =	swait.ge @!p2 [sflag:s26], $0x400  }
0xa1: {  	s30 =	simm.s32 @!p0 $0x4800;
	s1 =	sadd.s32 @!p0 s0, s11;
	[sflag:s26] =	ssyncset.done @!p2 $0x0  }
0xa2: {  	[sflag:s26] =	ssyncadd.s32 @!p2 $0xFFFFFC00  }
0xa3: {  	[tilespmem:s30], [sflag:$0x1] =	stream.indirect.gather @!p0 [hbm4b:s3+s29], $0x80, s1, s29, $0xb8;
	[tilespmem:$0x14800] =	vst v63  }
0xa4: {  	_ =	swait.ge [sflag:s18], $0x4000  }
0xa5: {  	[sflag:s18] =	ssyncset.done $0x0  }
0xa6: {  	s0 =	sadd.s32 s4, s28;
	[sflag:s18] =	ssyncadd.s32 $0xFFFFC000  }
0xa7: {  	[hbm4b:s0+s6] =	stream.linear.scatter [tilespmem:s20], [sflag:$0x2], $0x4000, $0x38;
	[tilespmem:$0x14800] =	vst v63  }
0xa8: {  	_ =	swait.ge [sflag:s16], $0x4000  }
0xa9: {  	[sflag:s16] =	ssyncset.done $0x0  }
0xaa: {  	[sflag:s16] =	ssyncadd.s32 $0xFFFFC000  }
0xab: {  	_ =	swait.ge [sflag:s16], $0x4000  }
0xac: {  	[sflag:s16] =	ssyncset.done $0x0  }
0xad: {  	[sflag:s16] =	ssyncadd.s32 $0xFFFFC000  }
0xae: {  	_ =	swait.ge [sflag:s16], $0x4000  }
0xaf: {  	s30 =	rddreg [dreg:$0x8]  }
0xb0: {  	s31 =	rddreg [dreg:$0x5];
	s1 =	sadd.s32 $0x1, s30  }
0xb1: {  	p0 =	sne.s32 s1, s31  }
.Ltmp1:
0xb2: {  	_ = 	snop;
	(pc) =	sbr.rel @p0 .LBB2_1-.Ltmp1, $3  }
0xb3: {  	_ =	sdelay $0x1  }
0xb4: {  	[sflag:s16] =	ssyncset.done $0x0  }
0xb5: {  	[sflag:s16] =	ssyncadd.s32 $0xFFFFC000  }
0xb6: {  	_ =	sfence.sel $0x180000  }
0xb7: {  	[bflag:$0x0] =	sbarrier.arrive $0xFFFF  }
0xb8: {  	_ =	strace $0x90000047  }
0xb9: {  	s0 =	stileid.u32;
	[bflag:$0x2] =	sbarrier.arrive $0xFFFF  }
0xba: {  	p0 =	sne.s32 s0, $0x0;
	s0 =	rddreg [dreg:$0x3]  }
0xbb: {  	s0 =	sadd.s32 @!p0 $0x100000, s0  }
0xbc: {  	[sflag:s0] =	ssyncadd.tile.s32 @!p0 $0x1;
	_ =	shalt  }
.Lfunc_end2:
_tile_overlayer_lowered:
.L_overlay_start_2:
0xbd: {  	(tag) =	ssettag $0x2  }
0xbe: {  	s0 =	rddreg [dreg:$0x0];
	s2 =	stileid.u32  }
0xbf: {  	s1 =	rddreg [dreg:$0x1];
	p0 =	sne.s32 s2, $0x0  }
0xc0: {  	s3 =	rddreg [dreg:$0x2];
	[bflag:$0x3] =	sbarrier.arrive $0xFFFF;
	s2 =	simm.s32 @!p0 $0x1C03  }
0xc1: {  	[timem:s3], [sflag:s2] =	dma.local @!p0 [hbm:s0], s1  }
0xc2: {  	s0 =	simm.s32 @!p0 $0x3  }
0xc3: {  	_ =	swait.ge @!p0 [sflag:s0], s1  }
0xc4: {  	s1 =	ssub.s32 @!p0 $0x0, s1;
	[sflag:s0] =	ssyncset.done @!p0 $0x0  }
0xc5: {  	[sflag:s0] =	ssyncadd.s32 @!p0 s1  }
0xc6: {  	[bflag:$0x3] =	sbarrier.arrive $0xFFFF  }
0xc7: {  	_ =	shalt  }

</sc_bundles>
